<compile_context>
chip_gen: v7x
topology: tpu7x:2x2x1
jax: 0.10.2.dev20260603
libtpu: 0.0.44.dev20260713+nightly
codegen_flags: <defaults>
</compile_context>

<pallas_src>
import functools

import jax
import jax.numpy as jnp
from jax import lax
from jax.experimental import pallas as pl
from jax.experimental.pallas import tpu as pltpu
from jax.experimental.pallas import tpu_sc as plsc

_BATCH = 16384
_ED = 64
_N_ACT = 128
_PAIR = 2 * _ED
_NROWS = 1000000
_TCOLS = 16384
_TGRID = -(-_NROWS // _TCOLS)
_PROWS = _TGRID * (_TCOLS // 2)

_NC = 2
_NS = 16
_NW = _NC * _NS
_RPW = _BATCH // _NW
_CW = 128
_IDXR = _RPW // _CW
_GRP = 16


def _sc_gather_body(idx_hbm, tab, out_hbm, idx_v, stage, sem):
    wid = lax.axis_index("s") * _NC + lax.axis_index("c")
    crow = wid * _IDXR
    base = wid * _RPW
    pltpu.sync_copy(idx_hbm.at[pl.ds(crow, _IDXR)], idx_v)

    def grp_body(g, _):
        vec = idx_v[g >> 3, pl.ds((g & 7) * _GRP, _GRP)]
        tvec = ((vec >> 14) << 13) | (vec & 8191)
        copies = [
            pltpu.async_copy(
                tab.at[pl.ds(tvec[k], 1)],
                stage.at[pl.ds(g * _GRP + k, 1)],
                sem,
            )
            for k in range(_GRP)
        ]
        for c in copies:
            c.wait()
        return 0

    lax.fori_loop(0, _RPW // _GRP, grp_body, 0)
    pltpu.sync_copy(stage, out_hbm.at[pl.ds(base, _RPW)])


@functools.cache
def _sc_gather():
    return functools.partial(
        pl.kernel,
        out_type=jax.ShapeDtypeStruct((_BATCH, _PAIR), jnp.float32),
        mesh=plsc.VectorSubcoreMesh(core_axis_name="c", subcore_axis_name="s"),
        scratch_types=[
            pltpu.VMEM((_IDXR, _CW), jnp.int32),
            pltpu.VMEM((_RPW, _PAIR), jnp.float32),
            pltpu.SemaphoreType.DMA,
        ],
    )(_sc_gather_body)


def _pack_body(a_ref, o_ref):
    eye = jnp.eye(_ED, dtype=jnp.float32)
    a = a_ref[...]
    half = _TCOLS // 2
    o_ref[:, :_ED] = lax.dot_general(
        a[:, :half], eye, (((0,), (0,)), ((), ())),
        preferred_element_type=jnp.float32)
    o_ref[:, _ED:] = lax.dot_general(
        a[:, half:], eye, (((0,), (0,)), ((), ())),
        preferred_element_type=jnp.float32)


_pack = pl.pallas_call(
    _pack_body,
    grid=(_TGRID,),
    in_specs=[pl.BlockSpec((_ED, _TCOLS), lambda i: (0, i))],
    out_specs=pl.BlockSpec((_TCOLS // 2, _PAIR), lambda i: (i, 0)),
    out_shape=jax.ShapeDtypeStruct((_PROWS, _PAIR), jnp.float32),
)


def _pack_table(table):
    return _pack(table.T)


_BLK = 2048


def _mlp_body(up_ref, ip_ref, uh_ref, ih_ref, w1u2_ref, w1i2_ref, b1_ref,
              w2_ref, b2_ref, o_ref):
    lane = lax.broadcasted_iota(jnp.int32, (_BLK, _PAIR), 1).astype(jnp.float32)
    um = jnp.where((lane >= _ED) == (uh_ref[...] > 0.5), up_ref[...], 0.0)
    im = jnp.where((lane >= _ED) == (ih_ref[...] > 0.5), ip_ref[...], 0.0)
    h = jnp.dot(um, w1u2_ref[...], preferred_element_type=jnp.float32)
    h += jnp.dot(im, w1i2_ref[...], preferred_element_type=jnp.float32)
    h = jnp.maximum(h + b1_ref[...], 0.0)
    p = jnp.sum(h * w2_ref[...], axis=1, keepdims=True) + b2_ref[...]
    o_ref[...] = 5.0 / (1.0 + jnp.exp(-p))


_mlp = pl.pallas_call(
    _mlp_body,
    grid=(_BATCH // _BLK,),
    in_specs=[
        pl.BlockSpec((_BLK, _PAIR), lambda i: (i, 0)),
        pl.BlockSpec((_BLK, _PAIR), lambda i: (i, 0)),
        pl.BlockSpec((_BLK, 1), lambda i: (i, 0)),
        pl.BlockSpec((_BLK, 1), lambda i: (i, 0)),
        pl.BlockSpec((_PAIR, _N_ACT), lambda i: (0, 0)),
        pl.BlockSpec((_PAIR, _N_ACT), lambda i: (0, 0)),
        pl.BlockSpec((1, _N_ACT), lambda i: (0, 0)),
        pl.BlockSpec((1, _N_ACT), lambda i: (0, 0)),
        pl.BlockSpec((1, 1), lambda i: (0, 0)),
    ],
    out_specs=pl.BlockSpec((_BLK, 1), lambda i: (i, 0)),
    out_shape=jax.ShapeDtypeStruct((_BATCH, 1), jnp.float32),
)


def kernel(X, user_table, item_table, W1, b1, W2, b2):
    Xi = X.astype(jnp.int32)
    u_idx = Xi[:, 0].reshape(_BATCH // _CW, _CW)
    i_idx = Xi[:, 1].reshape(_BATCH // _CW, _CW)
    uh = ((Xi[:, 0] >> 13) & 1).astype(jnp.float32).reshape(_BATCH, 1)
    ih = ((Xi[:, 1] >> 13) & 1).astype(jnp.float32).reshape(_BATCH, 1)
    upk = _pack_table(user_table)
    ipk = _pack_table(item_table)
    u_pairs = _sc_gather()(u_idx, upk)
    i_pairs = _sc_gather()(i_idx, ipk)
    w1u2 = jnp.concatenate([W1[:_ED], W1[:_ED]], axis=0)
    w1i2 = jnp.concatenate([W1[_ED:], W1[_ED:]], axis=0)
    return _mlp(u_pairs, i_pairs, uh, ih, w1u2, w1i2,
                b1.reshape(1, _N_ACT), W2.reshape(1, _N_ACT),
                b2.reshape(1, 1))

# --- scband reference (transcript-rebuilt; emitter-appended) ---
"""Pipeline reference for scband-nncolab-filtering-42219528520269 (READ-ONLY COPY).

The authoritative reference and input builder live on the scoring server;
editing this copy changes nothing except your own understanding.
"""

import jax, jax.numpy as jnp
import numpy as np

N_USERS = 1000000
N_ITEMS = 1000000
EDU = 64
EDI = 64
N_ACT = 128
BATCH = 16384
R_LO, R_HI = 0.0, 5.0


def setup_inputs(seed: int = 0) -> dict:
    key = jax.random.key(seed)
    k1, k2, k3, k4, k5, k6, k7 = jax.random.split(key, 7)
    X = jax.random.randint(k1, (BATCH, 2), 0, N_USERS, dtype=jnp.int64) if jax.config.jax_enable_x64 else jax.random.randint(k1, (BATCH, 2), 0, N_USERS, dtype=jnp.int32)
    user_table = jax.random.normal(k2, (N_USERS, EDU), dtype=jnp.float32)
    item_table = jax.random.normal(k3, (N_ITEMS, EDI), dtype=jnp.float32)
    W1 = jax.random.normal(k4, (EDU + EDI, N_ACT), dtype=jnp.float32) * (1.0 / np.sqrt(EDU + EDI))
    b1 = jax.random.normal(k5, (N_ACT,), dtype=jnp.float32) * 0.01
    W2 = jax.random.normal(k6, (N_ACT, 1), dtype=jnp.float32) * (1.0 / np.sqrt(N_ACT))
    b2 = jax.random.normal(k7, (1,), dtype=jnp.float32) * 0.01
    return {"X": X, "user_table": user_table, "item_table": item_table, "W1": W1, "b1": b1, "W2": W2, "b2": b2}


def reference(X, user_table, item_table, W1, b1, W2, b2):
    embedded_users = jnp.take(user_table, X[:, 0], axis=0)
    embedded_items = jnp.take(item_table, X[:, 1], axis=0)
    embeddings = jnp.concatenate([embedded_users, embedded_items], axis=1)
    preds = embeddings @ W1 + b1
    preds = jax.nn.relu(preds)
    preds = preds @ W2 + b2
    preds = jax.nn.sigmoid(preds) * (R_HI - R_LO) + R_LO
    return preds

if __name__ == "__main__":
    import jax
    _d = setup_inputs()
    print(jax.jit(kernel)(*tuple(_d.values())))

</pallas_src>

<mosaic_0001>
#map = affine_map<(d0, d1) -> (0, 0)>
module attributes {stable_mosaic.version = 14 : i64} {
  func.func @_sc_gather_body(%arg0: i32, %arg1: i32, %arg2: memref<128x128xi32, #tpu.memory_space<hbm>>, %arg3: memref<507904x128xf32, #tpu.memory_space<hbm>>, %arg4: memref<16384x128xf32, #tpu.memory_space<hbm>>, %arg5: memref<4x128xi32, #tpu.memory_space<vmem>>, %arg6: memref<512x128xf32, #tpu.memory_space<vmem>>, %arg7: memref<!tpu.dma_semaphore, #tpu.memory_space<semaphore_mem>>) attributes {dimension_semantics = [#tpu.dimension_semantics<core_parallel>, #tpu.dimension_semantics<subcore_parallel>], iteration_bounds = array<i64: 2, 16>, scalar_prefetch = 0 : i64, scratch_operands = 3 : i64, tpu.core_type = #tpu.core_type<sc_vector_subcore>, window_params = [{transform_indices = #map}, {transform_indices = #map}, {transform_indices = #map}]} {
    %mul3A = arith.constant 2 : i32
    %mul3A_0 = arith.muli %arg1, %mul3A : i32
    %add3A = arith.addi %mul3A_0, %arg0 : i32
    %mul3A_1 = arith.constant 4 : i32
    %mul3A_2 = arith.muli %add3A, %mul3A_1 : i32
    %mul3A_3 = arith.constant 512 : i32
    %mul3A_4 = arith.muli %add3A, %mul3A_3 : i32
    "tpu.region"() ({
      %run_scoped3A = tpu.sem_alloc : memref<!tpu.dma_semaphore, #tpu.memory_space<semaphore_mem>>
      %dma_start3A = arith.constant 0 : i32
      %dma_start3A_11 = tpu.memref_slice %arg2[%mul3A_2, %dma_start3A] : memref<128x128xi32, #tpu.memory_space<hbm>> -> memref<4x128xi32, #tpu.memory_space<hbm>>
      %dma_start3A_12 = arith.constant 0 : i32
      %dma_start3A_13 = tpu.memref_slice %arg2[%mul3A_2, %dma_start3A_12] : memref<128x128xi32, #tpu.memory_space<hbm>> -> memref<4x128xi32, #tpu.memory_space<hbm>>
      tpu.enqueue_dma source(%dma_start3A_13 : memref<4x128xi32, #tpu.memory_space<hbm>>) target(%arg5 : memref<4x128xi32, #tpu.memory_space<vmem>>) target_semaphore(%run_scoped3A : memref<!tpu.dma_semaphore, #tpu.memory_space<semaphore_mem>>)
      %dma_wait3A = arith.constant 0 : i32
      %dma_wait3A_14 = tpu.memref_slice %arg2[%mul3A_2, %dma_wait3A] : memref<128x128xi32, #tpu.memory_space<hbm>> -> memref<4x128xi32, #tpu.memory_space<hbm>>
      %dma_wait3A_15 = arith.constant 0 : i32
      %dma_wait3A_16 = tpu.memref_slice %arg2[%mul3A_2, %dma_wait3A_15] : memref<128x128xi32, #tpu.memory_space<hbm>> -> memref<4x128xi32, #tpu.memory_space<hbm>>
      tpu.wait_dma2 semaphore(%run_scoped3A : memref<!tpu.dma_semaphore, #tpu.memory_space<semaphore_mem>>) src(%dma_wait3A_16 : memref<4x128xi32, #tpu.memory_space<hbm>>) dst(%arg5 : memref<4x128xi32, #tpu.memory_space<vmem>>)
      tpu.yield
    }) : () -> ()
    %scan3A = arith.constant 0 : i32
    %scan3A_5 = arith.constant 0 : i32
    %scan3A_6 = arith.constant 32 : i32
    %scan3A_7 = arith.addi %scan3A_5, %scan3A_6 : i32
    %scan3A_8 = arith.constant 1 : i32
    %scan3A_9 = scf.for %scan3A_11 = %scan3A_5 to %scan3A_7 step %scan3A_8 iter_args(%scan3A_12 = %scan3A) -> (i32)  : i32 {
      %shift_right_arithmetic3A = arith.constant 3 : i32
      %shift_right_arithmetic3A_13 = arith.shrsi %scan3A_11, %shift_right_arithmetic3A : i32
      %and3A = arith.constant 7 : i32
      %and3A_14 = arith.andi %scan3A_11, %and3A : i32
      %mul3A_15 = arith.constant 16 : i32
      %mul3A_16 = arith.muli %and3A_14, %mul3A_15 : i32
      %get3A = arith.index_cast %shift_right_arithmetic3A_13 : i32 to index
      %get3A_17 = arith.index_cast %mul3A_16 : i32 to index
      %get3A_18 = tpu.vector_load %arg5[%get3A, %get3A_17] {strides = array<i32>} : memref<4x128xi32, #tpu.memory_space<vmem>>, vector<1x16xi32>,
      %get3A_19 = vector.shape_cast %get3A_18 : vector<1x16xi32> to vector<16xi32>
      %shift_right_arithmetic3A_20 = arith.constant 14 : i32
      %shift_right_arithmetic3A_21 = vector.broadcast %shift_right_arithmetic3A_20 : i32 to vector<16xi32>
      %shift_right_arithmetic3A_22 = arith.shrsi %get3A_19, %shift_right_arithmetic3A_21 : vector<16xi32>
      %shift_left3A = arith.constant 13 : i32
      %shift_left3A_23 = vector.broadcast %shift_left3A : i32 to vector<16xi32>
      %shift_left3A_24 = arith.shli %shift_right_arithmetic3A_22, %shift_left3A_23 : vector<16xi32>
      %and3A_25 = arith.constant 8191 : i32
      %and3A_26 = vector.broadcast %and3A_25 : i32 to vector<16xi32>
      %and3A_27 = arith.andi %get3A_19, %and3A_26 : vector<16xi32>
      %or3A = arith.ori %shift_left3A_24, %and3A_27 : vector<16xi32>
      %slice3A = vector.extract_strided_slice %or3A {offsets = [0], sizes = [1], strides = [1]} : vector<16xi32> to vector<1xi32>
      %squeeze3A = vector.extract %slice3A[0] : i32 from vector<1xi32>
      %mul3A_28 = arith.constant 16 : i32
      %mul3A_29 = arith.muli %scan3A_11, %mul3A_28 : i32
      %add3A_30 = arith.constant 0 : i32
      %add3A_31 = arith.addi %mul3A_29, %add3A_30 : i32
      %dma_start3A = arith.constant 0 : i32
      %dma_start3A_32 = tpu.memref_slice %arg6[%add3A_31, %dma_start3A] : memref<512x128xf32, #tpu.memory_space<vmem>> -> memref<1x128xf32, #tpu.memory_space<vmem>>
      %dma_start3A_33 = arith.constant 0 : i32
      %dma_start3A_34 = tpu.memref_slice %arg3[%squeeze3A, %dma_start3A_33] : memref<507904x128xf32, #tpu.memory_space<hbm>> -> memref<1x128xf32, #tpu.memory_space<hbm>>
      %dma_start3A_35 = arith.constant 0 : i32
      %dma_start3A_36 = tpu.memref_slice %arg6[%add3A_31, %dma_start3A_35] : memref<512x128xf32, #tpu.memory_space<vmem>> -> memref<1x128xf32, #tpu.memory_space<vmem>>
      %dma_start3A_37 = arith.constant 0 : i32
      %dma_start3A_38 = tpu.memref_slice %arg3[%squeeze3A, %dma_start3A_37] : memref<507904x128xf32, #tpu.memory_space<hbm>> -> memref<1x128xf32, #tpu.memory_space<hbm>>
      tpu.enqueue_dma source(%dma_start3A_38 : memref<1x128xf32, #tpu.memory_space<hbm>>) target(%dma_start3A_36 : memref<1x128xf32, #tpu.memory_space<vmem>>) target_semaphore(%arg7 : memref<!tpu.dma_semaphore, #tpu.memory_space<semaphore_mem>>)
      %slice3A_39 = vector.extract_strided_slice %or3A {offsets = [1], sizes = [1], strides = [1]} : vector<16xi32> to vector<1xi32>
      %squeeze3A_40 = vector.extract %slice3A_39[0] : i32 from vector<1xi32>
      %mul3A_41 = arith.constant 16 : i32
      %mul3A_42 = arith.muli %scan3A_11, %mul3A_41 : i32
      %add3A_43 = arith.constant 1 : i32
      %add3A_44 = arith.addi %mul3A_42, %add3A_43 : i32
      %dma_start3A_45 = arith.constant 0 : i32
      %dma_start3A_46 = tpu.memref_slice %arg6[%add3A_44, %dma_start3A_45] : memref<512x128xf32, #tpu.memory_space<vmem>> -> memref<1x128xf32, #tpu.memory_space<vmem>>
      %dma_start3A_47 = arith.constant 0 : i32
      %dma_start3A_48 = tpu.memref_slice %arg3[%squeeze3A_40, %dma_start3A_47] : memref<507904x128xf32, #tpu.memory_space<hbm>> -> memref<1x128xf32, #tpu.memory_space<hbm>>
      %dma_start3A_49 = arith.constant 0 : i32
      %dma_start3A_50 = tpu.memref_slice %arg6[%add3A_44, %dma_start3A_49] : memref<512x128xf32, #tpu.memory_space<vmem>> -> memref<1x128xf32, #tpu.memory_space<vmem>>
      %dma_start3A_51 = arith.constant 0 : i32
      %dma_start3A_52 = tpu.memref_slice %arg3[%squeeze3A_40, %dma_start3A_51] : memref<507904x128xf32, #tpu.memory_space<hbm>> -> memref<1x128xf32, #tpu.memory_space<hbm>>
      tpu.enqueue_dma source(%dma_start3A_52 : memref<1x128xf32, #tpu.memory_space<hbm>>) target(%dma_start3A_50 : memref<1x128xf32, #tpu.memory_space<vmem>>) target_semaphore(%arg7 : memref<!tpu.dma_semaphore, #tpu.memory_space<semaphore_mem>>)
      %slice3A_53 = vector.extract_strided_slice %or3A {offsets = [2], sizes = [1], strides = [1]} : vector<16xi32> to vector<1xi32>
      %squeeze3A_54 = vector.extract %slice3A_53[0] : i32 from vector<1xi32>
      %mul3A_55 = arith.constant 16 : i32
      %mul3A_56 = arith.muli %scan3A_11, %mul3A_55 : i32
      %add3A_57 = arith.constant 2 : i32
      %add3A_58 = arith.addi %mul3A_56, %add3A_57 : i32
      %dma_start3A_59 = arith.constant 0 : i32
      %dma_start3A_60 = tpu.memref_slice %arg6[%add3A_58, %dma_start3A_59] : memref<512x128xf32, #tpu.memory_space<vmem>> -> memref<1x128xf32, #tpu.memory_space<vmem>>
      %dma_start3A_61 = arith.constant 0 : i32
      %dma_start3A_62 = tpu.memref_slice %arg3[%squeeze3A_54, %dma_start3A_61] : memref<507904x128xf32, #tpu.memory_space<hbm>> -> memref<1x128xf32, #tpu.memory_space<hbm>>
      %dma_start3A_63 = arith.constant 0 : i32
      %dma_start3A_64 = tpu.memref_slice %arg6[%add3A_58, %dma_start3A_63] : memref<512x128xf32, #tpu.memory_space<vmem>> -> memref<1x128xf32, #tpu.memory_space<vmem>>
      %dma_start3A_65 = arith.constant 0 : i32
      %dma_start3A_66 = tpu.memref_slice %arg3[%squeeze3A_54, %dma_start3A_65] : memref<507904x128xf32, #tpu.memory_space<hbm>> -> memref<1x128xf32, #tpu.memory_space<hbm>>
      tpu.enqueue_dma source(%dma_start3A_66 : memref<1x128xf32, #tpu.memory_space<hbm>>) target(%dma_start3A_64 : memref<1x128xf32, #tpu.memory_space<vmem>>) target_semaphore(%arg7 : memref<!tpu.dma_semaphore, #tpu.memory_space<semaphore_mem>>)
      %slice3A_67 = vector.extract_strided_slice %or3A {offsets = [3], sizes = [1], strides = [1]} : vector<16xi32> to vector<1xi32>
      %squeeze3A_68 = vector.extract %slice3A_67[0] : i32 from vector<1xi32>
      %mul3A_69 = arith.constant 16 : i32
      %mul3A_70 = arith.muli %scan3A_11, %mul3A_69 : i32
      %add3A_71 = arith.constant 3 : i32
      %add3A_72 = arith.addi %mul3A_70, %add3A_71 : i32
      %dma_start3A_73 = arith.constant 0 : i32
      %dma_start3A_74 = tpu.memref_slice %arg6[%add3A_72, %dma_start3A_73] : memref<512x128xf32, #tpu.memory_space<vmem>> -> memref<1x128xf32, #tpu.memory_space<vmem>>
      %dma_start3A_75 = arith.constant 0 : i32
      %dma_start3A_76 = tpu.memref_slice %arg3[%squeeze3A_68, %dma_start3A_75] : memref<507904x128xf32, #tpu.memory_space<hbm>> -> memref<1x128xf32, #tpu.memory_space<hbm>>
      %dma_start3A_77 = arith.constant 0 : i32
      %dma_start3A_78 = tpu.memref_slice %arg6[%add3A_72, %dma_start3A_77] : memref<512x128xf32, #tpu.memory_space<vmem>> -> memref<1x128xf32, #tpu.memory_space<vmem>>
      %dma_start3A_79 = arith.constant 0 : i32
      %dma_start3A_80 = tpu.memref_slice %arg3[%squeeze3A_68, %dma_start3A_79] : memref<507904x128xf32, #tpu.memory_space<hbm>> -> memref<1x128xf32, #tpu.memory_space<hbm>>
      tpu.enqueue_dma source(%dma_start3A_80 : memref<1x128xf32, #tpu.memory_space<hbm>>) target(%dma_start3A_78 : memref<1x128xf32, #tpu.memory_space<vmem>>) target_semaphore(%arg7 : memref<!tpu.dma_semaphore, #tpu.memory_space<semaphore_mem>>)
      %slice3A_81 = vector.extract_strided_slice %or3A {offsets = [4], sizes = [1], strides = [1]} : vector<16xi32> to vector<1xi32>
      %squeeze3A_82 = vector.extract %slice3A_81[0] : i32 from vector<1xi32>
      %mul3A_83 = arith.constant 16 : i32
      %mul3A_84 = arith.muli %scan3A_11, %mul3A_83 : i32
      %add3A_85 = arith.constant 4 : i32
      %add3A_86 = arith.addi %mul3A_84, %add3A_85 : i32
      %dma_start3A_87 = arith.constant 0 : i32
      %dma_start3A_88 = tpu.memref_slice %arg6[%add3A_86, %dma_start3A_87] : memref<512x128xf32, #tpu.memory_space<vmem>> -> memref<1x128xf32, #tpu.memory_space<vmem>>
      %dma_start3A_89 = arith.constant 0 : i32
      %dma_start3A_90 = tpu.memref_slice %arg3[%squeeze3A_82, %dma_start3A_89] : memref<507904x128xf32, #tpu.memory_space<hbm>> -> memref<1x128xf32, #tpu.memory_space<hbm>>
      %dma_start3A_91 = arith.constant 0 : i32
      %dma_start3A_92 = tpu.memref_slice %arg6[%add3A_86, %dma_start3A_91] : memref<512x128xf32, #tpu.memory_space<vmem>> -> memref<1x128xf32, #tpu.memory_space<vmem>>
      %dma_start3A_93 = arith.constant 0 : i32
      %dma_start3A_94 = tpu.memref_slice %arg3[%squeeze3A_82, %dma_start3A_93] : memref<507904x128xf32, #tpu.memory_space<hbm>> -> memref<1x128xf32, #tpu.memory_space<hbm>>
      tpu.enqueue_dma source(%dma_start3A_94 : memref<1x128xf32, #tpu.memory_space<hbm>>) target(%dma_start3A_92 : memref<1x128xf32, #tpu.memory_space<vmem>>) target_semaphore(%arg7 : memref<!tpu.dma_semaphore, #tpu.memory_space<semaphore_mem>>)
      %slice3A_95 = vector.extract_strided_slice %or3A {offsets = [5], sizes = [1], strides = [1]} : vector<16xi32> to vector<1xi32>
      %squeeze3A_96 = vector.extract %slice3A_95[0] : i32 from vector<1xi32>
      %mul3A_97 = arith.constant 16 : i32
      %mul3A_98 = arith.muli %scan3A_11, %mul3A_97 : i32
      %add3A_99 = arith.constant 5 : i32
      %add3A_100 = arith.addi %mul3A_98, %add3A_99 : i32
      %dma_start3A_101 = arith.constant 0 : i32
      %dma_start3A_102 = tpu.memref_slice %arg6[%add3A_100, %dma_start3A_101] : memref<512x128xf32, #tpu.memory_space<vmem>> -> memref<1x128xf32, #tpu.memory_space<vmem>>
      %dma_start3A_103 = arith.constant 0 : i32
      %dma_start3A_104 = tpu.memref_slice %arg3[%squeeze3A_96, %dma_start3A_103] : memref<507904x128xf32, #tpu.memory_space<hbm>> -> memref<1x128xf32, #tpu.memory_space<hbm>>
      %dma_start3A_105 = arith.constant 0 : i32
      %dma_start3A_106 = tpu.memref_slice %arg6[%add3A_100, %dma_start3A_105] : memref<512x128xf32, #tpu.memory_space<vmem>> -> memref<1x128xf32, #tpu.memory_space<vmem>>
      %dma_start3A_107 = arith.constant 0 : i32
      %dma_start3A_108 = tpu.memref_slice %arg3[%squeeze3A_96, %dma_start3A_107] : memref<507904x128xf32, #tpu.memory_space<hbm>> -> memref<1x128xf32, #tpu.memory_space<hbm>>
      tpu.enqueue_dma source(%dma_start3A_108 : memref<1x128xf32, #tpu.memory_space<hbm>>) target(%dma_start3A_106 : memref<1x128xf32, #tpu.memory_space<vmem>>) target_semaphore(%arg7 : memref<!tpu.dma_semaphore, #tpu.memory_space<semaphore_mem>>)
      %slice3A_109 = vector.extract_strided_slice %or3A {offsets = [6], sizes = [1], strides = [1]} : vector<16xi32> to vector<1xi32>
      %squeeze3A_110 = vector.extract %slice3A_109[0] : i32 from vector<1xi32>
      %mul3A_111 = arith.constant 16 : i32
      %mul3A_112 = arith.muli %scan3A_11, %mul3A_111 : i32
      %add3A_113 = arith.constant 6 : i32
      %add3A_114 = arith.addi %mul3A_112, %add3A_113 : i32
      %dma_start3A_115 = arith.constant 0 : i32
      %dma_start3A_116 = tpu.memref_slice %arg6[%add3A_114, %dma_start3A_115] : memref<512x128xf32, #tpu.memory_space<vmem>> -> memref<1x128xf32, #tpu.memory_space<vmem>>
      %dma_start3A_117 = arith.constant 0 : i32
      %dma_start3A_118 = tpu.memref_slice %arg3[%squeeze3A_110, %dma_start3A_117] : memref<507904x128xf32, #tpu.memory_space<hbm>> -> memref<1x128xf32, #tpu.memory_space<hbm>>
      %dma_start3A_119 = arith.constant 0 : i32
      %dma_start3A_120 = tpu.memref_slice %arg6[%add3A_114, %dma_start3A_119] : memref<512x128xf32, #tpu.memory_space<vmem>> -> memref<1x128xf32, #tpu.memory_space<vmem>>
      %dma_start3A_121 = arith.constant 0 : i32
      %dma_start3A_122 = tpu.memref_slice %arg3[%squeeze3A_110, %dma_start3A_121] : memref<507904x128xf32, #tpu.memory_space<hbm>> -> memref<1x128xf32, #tpu.memory_space<hbm>>
      tpu.enqueue_dma source(%dma_start3A_122 : memref<1x128xf32, #tpu.memory_space<hbm>>) target(%dma_start3A_120 : memref<1x128xf32, #tpu.memory_space<vmem>>) target_semaphore(%arg7 : memref<!tpu.dma_semaphore, #tpu.memory_space<semaphore_mem>>)
      %slice3A_123 = vector.extract_strided_slice %or3A {offsets = [7], sizes = [1], strides = [1]} : vector<16xi32> to vector<1xi32>
      %squeeze3A_124 = vector.extract %slice3A_123[0] : i32 from vector<1xi32>
      %mul3A_125 = arith.constant 16 : i32
      %mul3A_126 = arith.muli %scan3A_11, %mul3A_125 : i32
      %add3A_127 = arith.constant 7 : i32
      %add3A_128 = arith.addi %mul3A_126, %add3A_127 : i32
      %dma_start3A_129 = arith.constant 0 : i32
      %dma_start3A_130 = tpu.memref_slice %arg6[%add3A_128, %dma_start3A_129] : memref<512x128xf32, #tpu.memory_space<vmem>> -> memref<1x128xf32, #tpu.memory_space<vmem>>
      %dma_start3A_131 = arith.constant 0 : i32
      %dma_start3A_132 = tpu.memref_slice %arg3[%squeeze3A_124, %dma_start3A_131] : memref<507904x128xf32, #tpu.memory_space<hbm>> -> memref<1x128xf32, #tpu.memory_space<hbm>>
      %dma_start3A_133 = arith.constant 0 : i32
      %dma_start3A_134 = tpu.memref_slice %arg6[%add3A_128, %dma_start3A_133] : memref<512x128xf32, #tpu.memory_space<vmem>> -> memref<1x128xf32, #tpu.memory_space<vmem>>
      %dma_start3A_135 = arith.constant 0 : i32
      %dma_start3A_136 = tpu.memref_slice %arg3[%squeeze3A_124, %dma_start3A_135] : memref<507904x128xf32, #tpu.memory_space<hbm>> -> memref<1x128xf32, #tpu.memory_space<hbm>>
      tpu.enqueue_dma source(%dma_start3A_136 : memref<1x128xf32, #tpu.memory_space<hbm>>) target(%dma_start3A_134 : memref<1x128xf32, #tpu.memory_space<vmem>>) target_semaphore(%arg7 : memref<!tpu.dma_semaphore, #tpu.memory_space<semaphore_mem>>)
      %slice3A_137 = vector.extract_strided_slice %or3A {offsets = [8], sizes = [1], strides = [1]} : vector<16xi32> to vector<1xi32>
      %squeeze3A_138 = vector.extract %slice3A_137[0] : i32 from vector<1xi32>
      %mul3A_139 = arith.constant 16 : i32
      %mul3A_140 = arith.muli %scan3A_11, %mul3A_139 : i32
      %add3A_141 = arith.constant 8 : i32
      %add3A_142 = arith.addi %mul3A_140, %add3A_141 : i32
      %dma_start3A_143 = arith.constant 0 : i32
      %dma_start3A_144 = tpu.memref_slice %arg6[%add3A_142, %dma_start3A_143] : memref<512x128xf32, #tpu.memory_space<vmem>> -> memref<1x128xf32, #tpu.memory_space<vmem>>
      %dma_start3A_145 = arith.constant 0 : i32
      %dma_start3A_146 = tpu.memref_slice %arg3[%squeeze3A_138, %dma_start3A_145] : memref<507904x128xf32, #tpu.memory_space<hbm>> -> memref<1x128xf32, #tpu.memory_space<hbm>>
      %dma_start3A_147 = arith.constant 0 : i32
      %dma_start3A_148 = tpu.memref_slice %arg6[%add3A_142, %dma_start3A_147] : memref<512x128xf32, #tpu.memory_space<vmem>> -> memref<1x128xf32, #tpu.memory_space<vmem>>
      %dma_start3A_149 = arith.constant 0 : i32
      %dma_start3A_150 = tpu.memref_slice %arg3[%squeeze3A_138, %dma_start3A_149] : memref<507904x128xf32, #tpu.memory_space<hbm>> -> memref<1x128xf32, #tpu.memory_space<hbm>>
      tpu.enqueue_dma source(%dma_start3A_150 : memref<1x128xf32, #tpu.memory_space<hbm>>) target(%dma_start3A_148 : memref<1x128xf32, #tpu.memory_space<vmem>>) target_semaphore(%arg7 : memref<!tpu.dma_semaphore, #tpu.memory_space<semaphore_mem>>)
      %slice3A_151 = vector.extract_strided_slice %or3A {offsets = [9], sizes = [1], strides = [1]} : vector<16xi32> to vector<1xi32>
      %squeeze3A_152 = vector.extract %slice3A_151[0] : i32 from vector<1xi32>
      %mul3A_153 = arith.constant 16 : i32
      %mul3A_154 = arith.muli %scan3A_11, %mul3A_153 : i32
      %add3A_155 = arith.constant 9 : i32
      %add3A_156 = arith.addi %mul3A_154, %add3A_155 : i32
      %dma_start3A_157 = arith.constant 0 : i32
      %dma_start3A_158 = tpu.memref_slice %arg6[%add3A_156, %dma_start3A_157] : memref<512x128xf32, #tpu.memory_space<vmem>> -> memref<1x128xf32, #tpu.memory_space<vmem>>
      %dma_start3A_159 = arith.constant 0 : i32
      %dma_start3A_160 = tpu.memref_slice %arg3[%squeeze3A_152, %dma_start3A_159] : memref<507904x128xf32, #tpu.memory_space<hbm>> -> memref<1x128xf32, #tpu.memory_space<hbm>>
      %dma_start3A_161 = arith.constant 0 : i32
      %dma_start3A_162 = tpu.memref_slice %arg6[%add3A_156, %dma_start3A_161] : memref<512x128xf32, #tpu.memory_space<vmem>> -> memref<1x128xf32, #tpu.memory_space<vmem>>
      %dma_start3A_163 = arith.constant 0 : i32
      %dma_start3A_164 = tpu.memref_slice %arg3[%squeeze3A_152, %dma_start3A_163] : memref<507904x128xf32, #tpu.memory_space<hbm>> -> memref<1x128xf32, #tpu.memory_space<hbm>>
      tpu.enqueue_dma source(%dma_start3A_164 : memref<1x128xf32, #tpu.memory_space<hbm>>) target(%dma_start3A_162 : memref<1x128xf32, #tpu.memory_space<vmem>>) target_semaphore(%arg7 : memref<!tpu.dma_semaphore, #tpu.memory_space<semaphore_mem>>)
      %slice3A_165 = vector.extract_strided_slice %or3A {offsets = [10], sizes = [1], strides = [1]} : vector<16xi32> to vector<1xi32>
      %squeeze3A_166 = vector.extract %slice3A_165[0] : i32 from vector<1xi32>
      %mul3A_167 = arith.constant 16 : i32
      %mul3A_168 = arith.muli %scan3A_11, %mul3A_167 : i32
      %add3A_169 = arith.constant 10 : i32
      %add3A_170 = arith.addi %mul3A_168, %add3A_169 : i32
      %dma_start3A_171 = arith.constant 0 : i32
      %dma_start3A_172 = tpu.memref_slice %arg6[%add3A_170, %dma_start3A_171] : memref<512x128xf32, #tpu.memory_space<vmem>> -> memref<1x128xf32, #tpu.memory_space<vmem>>
      %dma_start3A_173 = arith.constant 0 : i32
      %dma_start3A_174 = tpu.memref_slice %arg3[%squeeze3A_166, %dma_start3A_173] : memref<507904x128xf32, #tpu.memory_space<hbm>> -> memref<1x128xf32, #tpu.memory_space<hbm>>
      %dma_start3A_175 = arith.constant 0 : i32
      %dma_start3A_176 = tpu.memref_slice %arg6[%add3A_170, %dma_start3A_175] : memref<512x128xf32, #tpu.memory_space<vmem>> -> memref<1x128xf32, #tpu.memory_space<vmem>>
      %dma_start3A_177 = arith.constant 0 : i32
      %dma_start3A_178 = tpu.memref_slice %arg3[%squeeze3A_166, %dma_start3A_177] : memref<507904x128xf32, #tpu.memory_space<hbm>> -> memref<1x128xf32, #tpu.memory_space<hbm>>
      tpu.enqueue_dma source(%dma_start3A_178 : memref<1x128xf32, #tpu.memory_space<hbm>>) target(%dma_start3A_176 : memref<1x128xf32, #tpu.memory_space<vmem>>) target_semaphore(%arg7 : memref<!tpu.dma_semaphore, #tpu.memory_space<semaphore_mem>>)
      %slice3A_179 = vector.extract_strided_slice %or3A {offsets = [11], sizes = [1], strides = [1]} : vector<16xi32> to vector<1xi32>
      %squeeze3A_180 = vector.extract %slice3A_179[0] : i32 from vector<1xi32>
      %mul3A_181 = arith.constant 16 : i32
      %mul3A_182 = arith.muli %scan3A_11, %mul3A_181 : i32
      %add3A_183 = arith.constant 11 : i32
      %add3A_184 = arith.addi %mul3A_182, %add3A_183 : i32
      %dma_start3A_185 = arith.constant 0 : i32
      %dma_start3A_186 = tpu.memref_slice %arg6[%add3A_184, %dma_start3A_185] : memref<512x128xf32, #tpu.memory_space<vmem>> -> memref<1x128xf32, #tpu.memory_space<vmem>>
      %dma_start3A_187 = arith.constant 0 : i32
      %dma_start3A_188 = tpu.memref_slice %arg3[%squeeze3A_180, %dma_start3A_187] : memref<507904x128xf32, #tpu.memory_space<hbm>> -> memref<1x128xf32, #tpu.memory_space<hbm>>
      %dma_start3A_189 = arith.constant 0 : i32
      %dma_start3A_190 = tpu.memref_slice %arg6[%add3A_184, %dma_start3A_189] : memref<512x128xf32, #tpu.memory_space<vmem>> -> memref<1x128xf32, #tpu.memory_space<vmem>>
      %dma_start3A_191 = arith.constant 0 : i32
      %dma_start3A_192 = tpu.memref_slice %arg3[%squeeze3A_180, %dma_start3A_191] : memref<507904x128xf32, #tpu.memory_space<hbm>> -> memref<1x128xf32, #tpu.memory_space<hbm>>
      tpu.enqueue_dma source(%dma_start3A_192 : memref<1x128xf32, #tpu.memory_space<hbm>>) target(%dma_start3A_190 : memref<1x128xf32, #tpu.memory_space<vmem>>) target_semaphore(%arg7 : memref<!tpu.dma_semaphore, #tpu.memory_space<semaphore_mem>>)
      %slice3A_193 = vector.extract_strided_slice %or3A {offsets = [12], sizes = [1], strides = [1]} : vector<16xi32> to vector<1xi32>
      %squeeze3A_194 = vector.extract %slice3A_193[0] : i32 from vector<1xi32>
      %mul3A_195 = arith.constant 16 : i32
      %mul3A_196 = arith.muli %scan3A_11, %mul3A_195 : i32
      %add3A_197 = arith.constant 12 : i32
      %add3A_198 = arith.addi %mul3A_196, %add3A_197 : i32
      %dma_start3A_199 = arith.constant 0 : i32
      %dma_start3A_200 = tpu.memref_slice %arg6[%add3A_198, %dma_start3A_199] : memref<512x128xf32, #tpu.memory_space<vmem>> -> memref<1x128xf32, #tpu.memory_space<vmem>>
      %dma_start3A_201 = arith.constant 0 : i32
      %dma_start3A_202 = tpu.memref_slice %arg3[%squeeze3A_194, %dma_start3A_201] : memref<507904x128xf32, #tpu.memory_space<hbm>> -> memref<1x128xf32, #tpu.memory_space<hbm>>
      %dma_start3A_203 = arith.constant 0 : i32
      %dma_start3A_204 = tpu.memref_slice %arg6[%add3A_198, %dma_start3A_203] : memref<512x128xf32, #tpu.memory_space<vmem>> -> memref<1x128xf32, #tpu.memory_space<vmem>>
      %dma_start3A_205 = arith.constant 0 : i32
      %dma_start3A_206 = tpu.memref_slice %arg3[%squeeze3A_194, %dma_start3A_205] : memref<507904x128xf32, #tpu.memory_space<hbm>> -> memref<1x128xf32, #tpu.memory_space<hbm>>
      tpu.enqueue_dma source(%dma_start3A_206 : memref<1x128xf32, #tpu.memory_space<hbm>>) target(%dma_start3A_204 : memref<1x128xf32, #tpu.memory_space<vmem>>) target_semaphore(%arg7 : memref<!tpu.dma_semaphore, #tpu.memory_space<semaphore_mem>>)
      %slice3A_207 = vector.extract_strided_slice %or3A {offsets = [13], sizes = [1], strides = [1]} : vector<16xi32> to vector<1xi32>
      %squeeze3A_208 = vector.extract %slice3A_207[0] : i32 from vector<1xi32>
      %mul3A_209 = arith.constant 16 : i32
      %mul3A_210 = arith.muli %scan3A_11, %mul3A_209 : i32
      %add3A_211 = arith.constant 13 : i32
      %add3A_212 = arith.addi %mul3A_210, %add3A_211 : i32
      %dma_start3A_213 = arith.constant 0 : i32
      %dma_start3A_214 = tpu.memref_slice %arg6[%add3A_212, %dma_start3A_213] : memref<512x128xf32, #tpu.memory_space<vmem>> -> memref<1x128xf32, #tpu.memory_space<vmem>>
      %dma_start3A_215 = arith.constant 0 : i32
      %dma_start3A_216 = tpu.memref_slice %arg3[%squeeze3A_208, %dma_start3A_215] : memref<507904x128xf32, #tpu.memory_space<hbm>> -> memref<1x128xf32, #tpu.memory_space<hbm>>
      %dma_start3A_217 = arith.constant 0 : i32
      %dma_start3A_218 = tpu.memref_slice %arg6[%add3A_212, %dma_start3A_217] : memref<512x128xf32, #tpu.memory_space<vmem>> -> memref<1x128xf32, #tpu.memory_space<vmem>>
      %dma_start3A_219 = arith.constant 0 : i32
      %dma_start3A_220 = tpu.memref_slice %arg3[%squeeze3A_208, %dma_start3A_219] : memref<507904x128xf32, #tpu.memory_space<hbm>> -> memref<1x128xf32, #tpu.memory_space<hbm>>
      tpu.enqueue_dma source(%dma_start3A_220 : memref<1x128xf32, #tpu.memory_space<hbm>>) target(%dma_start3A_218 : memref<1x128xf32, #tpu.memory_space<vmem>>) target_semaphore(%arg7 : memref<!tpu.dma_semaphore, #tpu.memory_space<semaphore_mem>>)
      %slice3A_221 = vector.extract_strided_slice %or3A {offsets = [14], sizes = [1], strides = [1]} : vector<16xi32> to vector<1xi32>
      %squeeze3A_222 = vector.extract %slice3A_221[0] : i32 from vector<1xi32>
      %mul3A_223 = arith.constant 16 : i32
      %mul3A_224 = arith.muli %scan3A_11, %mul3A_223 : i32
      %add3A_225 = arith.constant 14 : i32
      %add3A_226 = arith.addi %mul3A_224, %add3A_225 : i32
      %dma_start3A_227 = arith.constant 0 : i32
      %dma_start3A_228 = tpu.memref_slice %arg6[%add3A_226, %dma_start3A_227] : memref<512x128xf32, #tpu.memory_space<vmem>> -> memref<1x128xf32, #tpu.memory_space<vmem>>
      %dma_start3A_229 = arith.constant 0 : i32
      %dma_start3A_230 = tpu.memref_slice %arg3[%squeeze3A_222, %dma_start3A_229] : memref<507904x128xf32, #tpu.memory_space<hbm>> -> memref<1x128xf32, #tpu.memory_space<hbm>>
      %dma_start3A_231 = arith.constant 0 : i32
      %dma_start3A_232 = tpu.memref_slice %arg6[%add3A_226, %dma_start3A_231] : memref<512x128xf32, #tpu.memory_space<vmem>> -> memref<1x128xf32, #tpu.memory_space<vmem>>
      %dma_start3A_233 = arith.constant 0 : i32
      %dma_start3A_234 = tpu.memref_slice %arg3[%squeeze3A_222, %dma_start3A_233] : memref<507904x128xf32, #tpu.memory_space<hbm>> -> memref<1x128xf32, #tpu.memory_space<hbm>>
      tpu.enqueue_dma source(%dma_start3A_234 : memref<1x128xf32, #tpu.memory_space<hbm>>) target(%dma_start3A_232 : memref<1x128xf32, #tpu.memory_space<vmem>>) target_semaphore(%arg7 : memref<!tpu.dma_semaphore, #tpu.memory_space<semaphore_mem>>)
      %slice3A_235 = vector.extract_strided_slice %or3A {offsets = [15], sizes = [1], strides = [1]} : vector<16xi32> to vector<1xi32>
      %squeeze3A_236 = vector.extract %slice3A_235[0] : i32 from vector<1xi32>
      %mul3A_237 = arith.constant 16 : i32
      %mul3A_238 = arith.muli %scan3A_11, %mul3A_237 : i32
      %add3A_239 = arith.constant 15 : i32
      %add3A_240 = arith.addi %mul3A_238, %add3A_239 : i32
      %dma_start3A_241 = arith.constant 0 : i32
      %dma_start3A_242 = tpu.memref_slice %arg6[%add3A_240, %dma_start3A_241] : memref<512x128xf32, #tpu.memory_space<vmem>> -> memref<1x128xf32, #tpu.memory_space<vmem>>
      %dma_start3A_243 = arith.constant 0 : i32
      %dma_start3A_244 = tpu.memref_slice %arg3[%squeeze3A_236, %dma_start3A_243] : memref<507904x128xf32, #tpu.memory_space<hbm>> -> memref<1x128xf32, #tpu.memory_space<hbm>>
      %dma_start3A_245 = arith.constant 0 : i32
      %dma_start3A_246 = tpu.memref_slice %arg6[%add3A_240, %dma_start3A_245] : memref<512x128xf32, #tpu.memory_space<vmem>> -> memref<1x128xf32, #tpu.memory_space<vmem>>
      %dma_start3A_247 = arith.constant 0 : i32
      %dma_start3A_248 = tpu.memref_slice %arg3[%squeeze3A_236, %dma_start3A_247] : memref<507904x128xf32, #tpu.memory_space<hbm>> -> memref<1x128xf32, #tpu.memory_space<hbm>>
      tpu.enqueue_dma source(%dma_start3A_248 : memref<1x128xf32, #tpu.memory_space<hbm>>) target(%dma_start3A_246 : memref<1x128xf32, #tpu.memory_space<vmem>>) target_semaphore(%arg7 : memref<!tpu.dma_semaphore, #tpu.memory_space<semaphore_mem>>)
      %dma_wait3A = arith.constant 0 : i32
      %dma_wait3A_249 = tpu.memref_slice %arg6[%add3A_31, %dma_wait3A] : memref<512x128xf32, #tpu.memory_space<vmem>> -> memref<1x128xf32, #tpu.memory_space<vmem>>
      %dma_wait3A_250 = arith.constant 0 : i32
      %dma_wait3A_251 = tpu.memref_slice %arg3[%squeeze3A, %dma_wait3A_250] : memref<507904x128xf32, #tpu.memory_space<hbm>> -> memref<1x128xf32, #tpu.memory_space<hbm>>
      %dma_wait3A_252 = arith.constant 0 : i32
      %dma_wait3A_253 = tpu.memref_slice %arg6[%add3A_31, %dma_wait3A_252] : memref<512x128xf32, #tpu.memory_space<vmem>> -> memref<1x128xf32, #tpu.memory_space<vmem>>
      %dma_wait3A_254 = arith.constant 0 : i32
      %dma_wait3A_255 = tpu.memref_slice %arg3[%squeeze3A, %dma_wait3A_254] : memref<507904x128xf32, #tpu.memory_space<hbm>> -> memref<1x128xf32, #tpu.memory_space<hbm>>
      tpu.wait_dma2 semaphore(%arg7 : memref<!tpu.dma_semaphore, #tpu.memory_space<semaphore_mem>>) src(%dma_wait3A_255 : memref<1x128xf32, #tpu.memory_space<hbm>>) dst(%dma_wait3A_253 : memref<1x128xf32, #tpu.memory_space<vmem>>)
      %dma_wait3A_256 = arith.constant 0 : i32
      %dma_wait3A_257 = tpu.memref_slice %arg6[%add3A_44, %dma_wait3A_256] : memref<512x128xf32, #tpu.memory_space<vmem>> -> memref<1x128xf32, #tpu.memory_space<vmem>>
      %dma_wait3A_258 = arith.constant 0 : i32
      %dma_wait3A_259 = tpu.memref_slice %arg3[%squeeze3A_40, %dma_wait3A_258] : memref<507904x128xf32, #tpu.memory_space<hbm>> -> memref<1x128xf32, #tpu.memory_space<hbm>>
      %dma_wait3A_260 = arith.constant 0 : i32
      %dma_wait3A_261 = tpu.memref_slice %arg6[%add3A_44, %dma_wait3A_260] : memref<512x128xf32, #tpu.memory_space<vmem>> -> memref<1x128xf32, #tpu.memory_space<vmem>>
      %dma_wait3A_262 = arith.constant 0 : i32
      %dma_wait3A_263 = tpu.memref_slice %arg3[%squeeze3A_40, %dma_wait3A_262] : memref<507904x128xf32, #tpu.memory_space<hbm>> -> memref<1x128xf32, #tpu.memory_space<hbm>>
      tpu.wait_dma2 semaphore(%arg7 : memref<!tpu.dma_semaphore, #tpu.memory_space<semaphore_mem>>) src(%dma_wait3A_263 : memref<1x128xf32, #tpu.memory_space<hbm>>) dst(%dma_wait3A_261 : memref<1x128xf32, #tpu.memory_space<vmem>>)
      %dma_wait3A_264 = arith.constant 0 : i32
      %dma_wait3A_265 = tpu.memref_slice %arg6[%add3A_58, %dma_wait3A_264] : memref<512x128xf32, #tpu.memory_space<vmem>> -> memref<1x128xf32, #tpu.memory_space<vmem>>
      %dma_wait3A_266 = arith.constant 0 : i32
      %dma_wait3A_267 = tpu.memref_slice %arg3[%squeeze3A_54, %dma_wait3A_266] : memref<507904x128xf32, #tpu.memory_space<hbm>> -> memref<1x128xf32, #tpu.memory_space<hbm>>
      %dma_wait3A_268 = arith.constant 0 : i32
      %dma_wait3A_269 = tpu.memref_slice %arg6[%add3A_58, %dma_wait3A_268] : memref<512x128xf32, #tpu.memory_space<vmem>> -> memref<1x128xf32, #tpu.memory_space<vmem>>
      %dma_wait3A_270 = arith.constant 0 : i32
      %dma_wait3A_271 = tpu.memref_slice %arg3[%squeeze3A_54, %dma_wait3A_270] : memref<507904x128xf32, #tpu.memory_space<hbm>> -> memref<1x128xf32, #tpu.memory_space<hbm>>
      tpu.wait_dma2 semaphore(%arg7 : memref<!tpu.dma_semaphore, #tpu.memory_space<semaphore_mem>>) src(%dma_wait3A_271 : memref<1x128xf32, #tpu.memory_space<hbm>>) dst(%dma_wait3A_269 : memref<1x128xf32, #tpu.memory_space<vmem>>)
      %dma_wait3A_272 = arith.constant 0 : i32
      %dma_wait3A_273 = tpu.memref_slice %arg6[%add3A_72, %dma_wait3A_272] : memref<512x128xf32, #tpu.memory_space<vmem>> -> memref<1x128xf32, #tpu.memory_space<vmem>>
      %dma_wait3A_274 = arith.constant 0 : i32
      %dma_wait3A_275 = tpu.memref_slice %arg3[%squeeze3A_68, %dma_wait3A_274] : memref<507904x128xf32, #tpu.memory_space<hbm>> -> memref<1x128xf32, #tpu.memory_space<hbm>>
      %dma_wait3A_276 = arith.constant 0 : i32
      %dma_wait3A_277 = tpu.memref_slice %arg6[%add3A_72, %dma_wait3A_276] : memref<512x128xf32, #tpu.memory_space<vmem>> -> memref<1x128xf32, #tpu.memory_space<vmem>>
      %dma_wait3A_278 = arith.constant 0 : i32
      %dma_wait3A_279 = tpu.memref_slice %arg3[%squeeze3A_68, %dma_wait3A_278] : memref<507904x128xf32, #tpu.memory_space<hbm>> -> memref<1x128xf32, #tpu.memory_space<hbm>>
      tpu.wait_dma2 semaphore(%arg7 : memref<!tpu.dma_semaphore, #tpu.memory_space<semaphore_mem>>) src(%dma_wait3A_279 : memref<1x128xf32, #tpu.memory_space<hbm>>) dst(%dma_wait3A_277 : memref<1x128xf32, #tpu.memory_space<vmem>>)
      %dma_wait3A_280 = arith.constant 0 : i32
      %dma_wait3A_281 = tpu.memref_slice %arg6[%add3A_86, %dma_wait3A_280] : memref<512x128xf32, #tpu.memory_space<vmem>> -> memref<1x128xf32, #tpu.memory_space<vmem>>
      %dma_wait3A_282 = arith.constant 0 : i32
      %dma_wait3A_283 = tpu.memref_slice %arg3[%squeeze3A_82, %dma_wait3A_282] : memref<507904x128xf32, #tpu.memory_space<hbm>> -> memref<1x128xf32, #tpu.memory_space<hbm>>
      %dma_wait3A_284 = arith.constant 0 : i32
      %dma_wait3A_285 = tpu.memref_slice %arg6[%add3A_86, %dma_wait3A_284] : memref<512x128xf32, #tpu.memory_space<vmem>> -> memref<1x128xf32, #tpu.memory_space<vmem>>
      %dma_wait3A_286 = arith.constant 0 : i32
      %dma_wait3A_287 = tpu.memref_slice %arg3[%squeeze3A_82, %dma_wait3A_286] : memref<507904x128xf32, #tpu.memory_space<hbm>> -> memref<1x128xf32, #tpu.memory_space<hbm>>
      tpu.wait_dma2 semaphore(%arg7 : memref<!tpu.dma_semaphore, #tpu.memory_space<semaphore_mem>>) src(%dma_wait3A_287 : memref<1x128xf32, #tpu.memory_space<hbm>>) dst(%dma_wait3A_285 : memref<1x128xf32, #tpu.memory_space<vmem>>)
      %dma_wait3A_288 = arith.constant 0 : i32
      %dma_wait3A_289 = tpu.memref_slice %arg6[%add3A_100, %dma_wait3A_288] : memref<512x128xf32, #tpu.memory_space<vmem>> -> memref<1x128xf32, #tpu.memory_space<vmem>>
      %dma_wait3A_290 = arith.constant 0 : i32
      %dma_wait3A_291 = tpu.memref_slice %arg3[%squeeze3A_96, %dma_wait3A_290] : memref<507904x128xf32, #tpu.memory_space<hbm>> -> memref<1x128xf32, #tpu.memory_space<hbm>>
      %dma_wait3A_292 = arith.constant 0 : i32
      %dma_wait3A_293 = tpu.memref_slice %arg6[%add3A_100, %dma_wait3A_292] : memref<512x128xf32, #tpu.memory_space<vmem>> -> memref<1x128xf32, #tpu.memory_space<vmem>>
      %dma_wait3A_294 = arith.constant 0 : i32
      %dma_wait3A_295 = tpu.memref_slice %arg3[%squeeze3A_96, %dma_wait3A_294] : memref<507904x128xf32, #tpu.memory_space<hbm>> -> memref<1x128xf32, #tpu.memory_space<hbm>>
      tpu.wait_dma2 semaphore(%arg7 : memref<!tpu.dma_semaphore, #tpu.memory_space<semaphore_mem>>) src(%dma_wait3A_295 : memref<1x128xf32, #tpu.memory_space<hbm>>) dst(%dma_wait3A_293 : memref<1x128xf32, #tpu.memory_space<vmem>>)
      %dma_wait3A_296 = arith.constant 0 : i32
      %dma_wait3A_297 = tpu.memref_slice %arg6[%add3A_114, %dma_wait3A_296] : memref<512x128xf32, #tpu.memory_space<vmem>> -> memref<1x128xf32, #tpu.memory_space<vmem>>
      %dma_wait3A_298 = arith.constant 0 : i32
      %dma_wait3A_299 = tpu.memref_slice %arg3[%squeeze3A_110, %dma_wait3A_298] : memref<507904x128xf32, #tpu.memory_space<hbm>> -> memref<1x128xf32, #tpu.memory_space<hbm>>
      %dma_wait3A_300 = arith.constant 0 : i32
      %dma_wait3A_301 = tpu.memref_slice %arg6[%add3A_114, %dma_wait3A_300] : memref<512x128xf32, #tpu.memory_space<vmem>> -> memref<1x128xf32, #tpu.memory_space<vmem>>
      %dma_wait3A_302 = arith.constant 0 : i32
      %dma_wait3A_303 = tpu.memref_slice %arg3[%squeeze3A_110, %dma_wait3A_302] : memref<507904x128xf32, #tpu.memory_space<hbm>> -> memref<1x128xf32, #tpu.memory_space<hbm>>
      tpu.wait_dma2 semaphore(%arg7 : memref<!tpu.dma_semaphore, #tpu.memory_space<semaphore_mem>>) src(%dma_wait3A_303 : memref<1x128xf32, #tpu.memory_space<hbm>>) dst(%dma_wait3A_301 : memref<1x128xf32, #tpu.memory_space<vmem>>)
      %dma_wait3A_304 = arith.constant 0 : i32
      %dma_wait3A_305 = tpu.memref_slice %arg6[%add3A_128, %dma_wait3A_304] : memref<512x128xf32, #tpu.memory_space<vmem>> -> memref<1x128xf32, #tpu.memory_space<vmem>>
      %dma_wait3A_306 = arith.constant 0 : i32
      %dma_wait3A_307 = tpu.memref_slice %arg3[%squeeze3A_124, %dma_wait3A_306] : memref<507904x128xf32, #tpu.memory_space<hbm>> -> memref<1x128xf32, #tpu.memory_space<hbm>>
      %dma_wait3A_308 = arith.constant 0 : i32
      %dma_wait3A_309 = tpu.memref_slice %arg6[%add3A_128, %dma_wait3A_308] : memref<512x128xf32, #tpu.memory_space<vmem>> -> memref<1x128xf32, #tpu.memory_space<vmem>>
      %dma_wait3A_310 = arith.constant 0 : i32
      %dma_wait3A_311 = tpu.memref_slice %arg3[%squeeze3A_124, %dma_wait3A_310] : memref<507904x128xf32, #tpu.memory_space<hbm>> -> memref<1x128xf32, #tpu.memory_space<hbm>>
      tpu.wait_dma2 semaphore(%arg7 : memref<!tpu.dma_semaphore, #tpu.memory_space<semaphore_mem>>) src(%dma_wait3A_311 : memref<1x128xf32, #tpu.memory_space<hbm>>) dst(%dma_wait3A_309 : memref<1x128xf32, #tpu.memory_space<vmem>>)
      %dma_wait3A_312 = arith.constant 0 : i32
      %dma_wait3A_313 = tpu.memref_slice %arg6[%add3A_142, %dma_wait3A_312] : memref<512x128xf32, #tpu.memory_space<vmem>> -> memref<1x128xf32, #tpu.memory_space<vmem>>
      %dma_wait3A_314 = arith.constant 0 : i32
      %dma_wait3A_315 = tpu.memref_slice %arg3[%squeeze3A_138, %dma_wait3A_314] : memref<507904x128xf32, #tpu.memory_space<hbm>> -> memref<1x128xf32, #tpu.memory_space<hbm>>
      %dma_wait3A_316 = arith.constant 0 : i32
      %dma_wait3A_317 = tpu.memref_slice %arg6[%add3A_142, %dma_wait3A_316] : memref<512x128xf32, #tpu.memory_space<vmem>> -> memref<1x128xf32, #tpu.memory_space<vmem>>
      %dma_wait3A_318 = arith.constant 0 : i32
      %dma_wait3A_319 = tpu.memref_slice %arg3[%squeeze3A_138, %dma_wait3A_318] : memref<507904x128xf32, #tpu.memory_space<hbm>> -> memref<1x128xf32, #tpu.memory_space<hbm>>
      tpu.wait_dma2 semaphore(%arg7 : memref<!tpu.dma_semaphore, #tpu.memory_space<semaphore_mem>>) src(%dma_wait3A_319 : memref<1x128xf32, #tpu.memory_space<hbm>>) dst(%dma_wait3A_317 : memref<1x128xf32, #tpu.memory_space<vmem>>)
      %dma_wait3A_320 = arith.constant 0 : i32
      %dma_wait3A_321 = tpu.memref_slice %arg6[%add3A_156, %dma_wait3A_320] : memref<512x128xf32, #tpu.memory_space<vmem>> -> memref<1x128xf32, #tpu.memory_space<vmem>>
      %dma_wait3A_322 = arith.constant 0 : i32
      %dma_wait3A_323 = tpu.memref_slice %arg3[%squeeze3A_152, %dma_wait3A_322] : memref<507904x128xf32, #tpu.memory_space<hbm>> -> memref<1x128xf32, #tpu.memory_space<hbm>>
      %dma_wait3A_324 = arith.constant 0 : i32
      %dma_wait3A_325 = tpu.memref_slice %arg6[%add3A_156, %dma_wait3A_324] : memref<512x128xf32, #tpu.memory_space<vmem>> -> memref<1x128xf32, #tpu.memory_space<vmem>>
      %dma_wait3A_326 = arith.constant 0 : i32
      %dma_wait3A_327 = tpu.memref_slice %arg3[%squeeze3A_152, %dma_wait3A_326] : memref<507904x128xf32, #tpu.memory_space<hbm>> -> memref<1x128xf32, #tpu.memory_space<hbm>>
      tpu.wait_dma2 semaphore(%arg7 : memref<!tpu.dma_semaphore, #tpu.memory_space<semaphore_mem>>) src(%dma_wait3A_327 : memref<1x128xf32, #tpu.memory_space<hbm>>) dst(%dma_wait3A_325 : memref<1x128xf32, #tpu.memory_space<vmem>>)
      %dma_wait3A_328 = arith.constant 0 : i32
      %dma_wait3A_329 = tpu.memref_slice %arg6[%add3A_170, %dma_wait3A_328] : memref<512x128xf32, #tpu.memory_space<vmem>> -> memref<1x128xf32, #tpu.memory_space<vmem>>
      %dma_wait3A_330 = arith.constant 0 : i32
      %dma_wait3A_331 = tpu.memref_slice %arg3[%squeeze3A_166, %dma_wait3A_330] : memref<507904x128xf32, #tpu.memory_space<hbm>> -> memref<1x128xf32, #tpu.memory_space<hbm>>
      %dma_wait3A_332 = arith.constant 0 : i32
      %dma_wait3A_333 = tpu.memref_slice %arg6[%add3A_170, %dma_wait3A_332] : memref<512x128xf32, #tpu.memory_space<vmem>> -> memref<1x128xf32, #tpu.memory_space<vmem>>
      %dma_wait3A_334 = arith.constant 0 : i32
      %dma_wait3A_335 = tpu.memref_slice %arg3[%squeeze3A_166, %dma_wait3A_334] : memref<507904x128xf32, #tpu.memory_space<hbm>> -> memref<1x128xf32, #tpu.memory_space<hbm>>
      tpu.wait_dma2 semaphore(%arg7 : memref<!tpu.dma_semaphore, #tpu.memory_space<semaphore_mem>>) src(%dma_wait3A_335 : memref<1x128xf32, #tpu.memory_space<hbm>>) dst(%dma_wait3A_333 : memref<1x128xf32, #tpu.memory_space<vmem>>)
      %dma_wait3A_336 = arith.constant 0 : i32
      %dma_wait3A_337 = tpu.memref_slice %arg6[%add3A_184, %dma_wait3A_336] : memref<512x128xf32, #tpu.memory_space<vmem>> -> memref<1x128xf32, #tpu.memory_space<vmem>>
      %dma_wait3A_338 = arith.constant 0 : i32
      %dma_wait3A_339 = tpu.memref_slice %arg3[%squeeze3A_180, %dma_wait3A_338] : memref<507904x128xf32, #tpu.memory_space<hbm>> -> memref<1x128xf32, #tpu.memory_space<hbm>>
      %dma_wait3A_340 = arith.constant 0 : i32
      %dma_wait3A_341 = tpu.memref_slice %arg6[%add3A_184, %dma_wait3A_340] : memref<512x128xf32, #tpu.memory_space<vmem>> -> memref<1x128xf32, #tpu.memory_space<vmem>>
      %dma_wait3A_342 = arith.constant 0 : i32
      %dma_wait3A_343 = tpu.memref_slice %arg3[%squeeze3A_180, %dma_wait3A_342] : memref<507904x128xf32, #tpu.memory_space<hbm>> -> memref<1x128xf32, #tpu.memory_space<hbm>>
      tpu.wait_dma2 semaphore(%arg7 : memref<!tpu.dma_semaphore, #tpu.memory_space<semaphore_mem>>) src(%dma_wait3A_343 : memref<1x128xf32, #tpu.memory_space<hbm>>) dst(%dma_wait3A_341 : memref<1x128xf32, #tpu.memory_space<vmem>>)
      %dma_wait3A_344 = arith.constant 0 : i32
      %dma_wait3A_345 = tpu.memref_slice %arg6[%add3A_198, %dma_wait3A_344] : memref<512x128xf32, #tpu.memory_space<vmem>> -> memref<1x128xf32, #tpu.memory_space<vmem>>
      %dma_wait3A_346 = arith.constant 0 : i32
      %dma_wait3A_347 = tpu.memref_slice %arg3[%squeeze3A_194, %dma_wait3A_346] : memref<507904x128xf32, #tpu.memory_space<hbm>> -> memref<1x128xf32, #tpu.memory_space<hbm>>
      %dma_wait3A_348 = arith.constant 0 : i32
      %dma_wait3A_349 = tpu.memref_slice %arg6[%add3A_198, %dma_wait3A_348] : memref<512x128xf32, #tpu.memory_space<vmem>> -> memref<1x128xf32, #tpu.memory_space<vmem>>
      %dma_wait3A_350 = arith.constant 0 : i32
      %dma_wait3A_351 = tpu.memref_slice %arg3[%squeeze3A_194, %dma_wait3A_350] : memref<507904x128xf32, #tpu.memory_space<hbm>> -> memref<1x128xf32, #tpu.memory_space<hbm>>
      tpu.wait_dma2 semaphore(%arg7 : memref<!tpu.dma_semaphore, #tpu.memory_space<semaphore_mem>>) src(%dma_wait3A_351 : memref<1x128xf32, #tpu.memory_space<hbm>>) dst(%dma_wait3A_349 : memref<1x128xf32, #tpu.memory_space<vmem>>)
      %dma_wait3A_352 = arith.constant 0 : i32
      %dma_wait3A_353 = tpu.memref_slice %arg6[%add3A_212, %dma_wait3A_352] : memref<512x128xf32, #tpu.memory_space<vmem>> -> memref<1x128xf32, #tpu.memory_space<vmem>>
      %dma_wait3A_354 = arith.constant 0 : i32
      %dma_wait3A_355 = tpu.memref_slice %arg3[%squeeze3A_208, %dma_wait3A_354] : memref<507904x128xf32, #tpu.memory_space<hbm>> -> memref<1x128xf32, #tpu.memory_space<hbm>>
      %dma_wait3A_356 = arith.constant 0 : i32
      %dma_wait3A_357 = tpu.memref_slice %arg6[%add3A_212, %dma_wait3A_356] : memref<512x128xf32, #tpu.memory_space<vmem>> -> memref<1x128xf32, #tpu.memory_space<vmem>>
      %dma_wait3A_358 = arith.constant 0 : i32
      %dma_wait3A_359 = tpu.memref_slice %arg3[%squeeze3A_208, %dma_wait3A_358] : memref<507904x128xf32, #tpu.memory_space<hbm>> -> memref<1x128xf32, #tpu.memory_space<hbm>>
      tpu.wait_dma2 semaphore(%arg7 : memref<!tpu.dma_semaphore, #tpu.memory_space<semaphore_mem>>) src(%dma_wait3A_359 : memref<1x128xf32, #tpu.memory_space<hbm>>) dst(%dma_wait3A_357 : memref<1x128xf32, #tpu.memory_space<vmem>>)
      %dma_wait3A_360 = arith.constant 0 : i32
      %dma_wait3A_361 = tpu.memref_slice %arg6[%add3A_226, %dma_wait3A_360] : memref<512x128xf32, #tpu.memory_space<vmem>> -> memref<1x128xf32, #tpu.memory_space<vmem>>
      %dma_wait3A_362 = arith.constant 0 : i32
      %dma_wait3A_363 = tpu.memref_slice %arg3[%squeeze3A_222, %dma_wait3A_362] : memref<507904x128xf32, #tpu.memory_space<hbm>> -> memref<1x128xf32, #tpu.memory_space<hbm>>
      %dma_wait3A_364 = arith.constant 0 : i32
      %dma_wait3A_365 = tpu.memref_slice %arg6[%add3A_226, %dma_wait3A_364] : memref<512x128xf32, #tpu.memory_space<vmem>> -> memref<1x128xf32, #tpu.memory_space<vmem>>
      %dma_wait3A_366 = arith.constant 0 : i32
      %dma_wait3A_367 = tpu.memref_slice %arg3[%squeeze3A_222, %dma_wait3A_366] : memref<507904x128xf32, #tpu.memory_space<hbm>> -> memref<1x128xf32, #tpu.memory_space<hbm>>
      tpu.wait_dma2 semaphore(%arg7 : memref<!tpu.dma_semaphore, #tpu.memory_space<semaphore_mem>>) src(%dma_wait3A_367 : memref<1x128xf32, #tpu.memory_space<hbm>>) dst(%dma_wait3A_365 : memref<1x128xf32, #tpu.memory_space<vmem>>)
      %dma_wait3A_368 = arith.constant 0 : i32
      %dma_wait3A_369 = tpu.memref_slice %arg6[%add3A_240, %dma_wait3A_368] : memref<512x128xf32, #tpu.memory_space<vmem>> -> memref<1x128xf32, #tpu.memory_space<vmem>>
      %dma_wait3A_370 = arith.constant 0 : i32
      %dma_wait3A_371 = tpu.memref_slice %arg3[%squeeze3A_236, %dma_wait3A_370] : memref<507904x128xf32, #tpu.memory_space<hbm>> -> memref<1x128xf32, #tpu.memory_space<hbm>>
      %dma_wait3A_372 = arith.constant 0 : i32
      %dma_wait3A_373 = tpu.memref_slice %arg6[%add3A_240, %dma_wait3A_372] : memref<512x128xf32, #tpu.memory_space<vmem>> -> memref<1x128xf32, #tpu.memory_space<vmem>>
      %dma_wait3A_374 = arith.constant 0 : i32
      %dma_wait3A_375 = tpu.memref_slice %arg3[%squeeze3A_236, %dma_wait3A_374] : memref<507904x128xf32, #tpu.memory_space<hbm>> -> memref<1x128xf32, #tpu.memory_space<hbm>>
      tpu.wait_dma2 semaphore(%arg7 : memref<!tpu.dma_semaphore, #tpu.memory_space<semaphore_mem>>) src(%dma_wait3A_375 : memref<1x128xf32, #tpu.memory_space<hbm>>) dst(%dma_wait3A_373 : memref<1x128xf32, #tpu.memory_space<vmem>>)
      %scan3A_376 = arith.constant 0 : i32
      scf.yield %scan3A_376 : i32
    }
    %scan3A_10 = arith.constant 32 : i32
    "tpu.region"() ({
      %run_scoped3A = tpu.sem_alloc : memref<!tpu.dma_semaphore, #tpu.memory_space<semaphore_mem>>
      %dma_start3A = arith.constant 0 : i32
      %dma_start3A_11 = tpu.memref_slice %arg4[%mul3A_4, %dma_start3A] : memref<16384x128xf32, #tpu.memory_space<hbm>> -> memref<512x128xf32, #tpu.memory_space<hbm>>
      %dma_start3A_12 = arith.constant 0 : i32
      %dma_start3A_13 = tpu.memref_slice %arg4[%mul3A_4, %dma_start3A_12] : memref<16384x128xf32, #tpu.memory_space<hbm>> -> memref<512x128xf32, #tpu.memory_space<hbm>>
      tpu.enqueue_dma source(%arg6 : memref<512x128xf32, #tpu.memory_space<vmem>>) target(%dma_start3A_13 : memref<512x128xf32, #tpu.memory_space<hbm>>) target_semaphore(%run_scoped3A : memref<!tpu.dma_semaphore, #tpu.memory_space<semaphore_mem>>)
      %dma_wait3A = arith.constant 0 : i32
      %dma_wait3A_14 = tpu.memref_slice %arg4[%mul3A_4, %dma_wait3A] : memref<16384x128xf32, #tpu.memory_space<hbm>> -> memref<512x128xf32, #tpu.memory_space<hbm>>
      %dma_wait3A_15 = arith.constant 0 : i32
      %dma_wait3A_16 = tpu.memref_slice %arg4[%mul3A_4, %dma_wait3A_15] : memref<16384x128xf32, #tpu.memory_space<hbm>> -> memref<512x128xf32, #tpu.memory_space<hbm>>
      tpu.wait_dma2 semaphore(%run_scoped3A : memref<!tpu.dma_semaphore, #tpu.memory_space<semaphore_mem>>) src(%arg6 : memref<512x128xf32, #tpu.memory_space<vmem>>) dst(%dma_wait3A_16 : memref<512x128xf32, #tpu.memory_space<hbm>>)
      tpu.yield
    }) : () -> ()
    return
  }
}

#map = affine_map<(d0, d1) -> (0, 0)>
module attributes {stable_mosaic.version = 14 : i64} {
  func.func @_sc_gather_body(%arg0: i32, %arg1: i32, %arg2: memref<128x128xi32, #tpu.memory_space<hbm>>, %arg3: memref<507904x128xf32, #tpu.memory_space<hbm>>, %arg4: memref<16384x128xf32, #tpu.memory_space<hbm>>, %arg5: memref<4x128xi32, #tpu.memory_space<vmem>>, %arg6: memref<512x128xf32, #tpu.memory_space<vmem>>, %arg7: memref<!tpu.dma_semaphore, #tpu.memory_space<semaphore_mem>>) attributes {dimension_semantics = [#tpu.dimension_semantics<core_parallel>, #tpu.dimension_semantics<subcore_parallel>], iteration_bounds = array<i64: 2, 16>, scalar_prefetch = 0 : i64, scratch_operands = 3 : i64, tpu.core_type = #tpu.core_type<sc_vector_subcore>, window_params = [{transform_indices = #map}, {transform_indices = #map}, {transform_indices = #map}]} {
    %mul3A = arith.constant 2 : i32
    %mul3A_0 = arith.muli %arg1, %mul3A : i32
    %add3A = arith.addi %mul3A_0, %arg0 : i32
    %mul3A_1 = arith.constant 4 : i32
    %mul3A_2 = arith.muli %add3A, %mul3A_1 : i32
    %mul3A_3 = arith.constant 512 : i32
    %mul3A_4 = arith.muli %add3A, %mul3A_3 : i32
    "tpu.region"() ({
      %run_scoped3A = tpu.sem_alloc : memref<!tpu.dma_semaphore, #tpu.memory_space<semaphore_mem>>
      %dma_start3A = arith.constant 0 : i32
      %dma_start3A_11 = tpu.memref_slice %arg2[%mul3A_2, %dma_start3A] : memref<128x128xi32, #tpu.memory_space<hbm>> -> memref<4x128xi32, #tpu.memory_space<hbm>>
      %dma_start3A_12 = arith.constant 0 : i32
      %dma_start3A_13 = tpu.memref_slice %arg2[%mul3A_2, %dma_start3A_12] : memref<128x128xi32, #tpu.memory_space<hbm>> -> memref<4x128xi32, #tpu.memory_space<hbm>>
      tpu.enqueue_dma source(%dma_start3A_13 : memref<4x128xi32, #tpu.memory_space<hbm>>) target(%arg5 : memref<4x128xi32, #tpu.memory_space<vmem>>) target_semaphore(%run_scoped3A : memref<!tpu.dma_semaphore, #tpu.memory_space<semaphore_mem>>)
      %dma_wait3A = arith.constant 0 : i32
      %dma_wait3A_14 = tpu.memref_slice %arg2[%mul3A_2, %dma_wait3A] : memref<128x128xi32, #tpu.memory_space<hbm>> -> memref<4x128xi32, #tpu.memory_space<hbm>>
      %dma_wait3A_15 = arith.constant 0 : i32
      %dma_wait3A_16 = tpu.memref_slice %arg2[%mul3A_2, %dma_wait3A_15] : memref<128x128xi32, #tpu.memory_space<hbm>> -> memref<4x128xi32, #tpu.memory_space<hbm>>
      tpu.wait_dma2 semaphore(%run_scoped3A : memref<!tpu.dma_semaphore, #tpu.memory_space<semaphore_mem>>) src(%dma_wait3A_16 : memref<4x128xi32, #tpu.memory_space<hbm>>) dst(%arg5 : memref<4x128xi32, #tpu.memory_space<vmem>>)
      tpu.yield
    }) : () -> ()
    %scan3A = arith.constant 0 : i32
    %scan3A_5 = arith.constant 0 : i32
    %scan3A_6 = arith.constant 32 : i32
    %scan3A_7 = arith.addi %scan3A_5, %scan3A_6 : i32
    %scan3A_8 = arith.constant 1 : i32
    %scan3A_9 = scf.for %scan3A_11 = %scan3A_5 to %scan3A_7 step %scan3A_8 iter_args(%scan3A_12 = %scan3A) -> (i32)  : i32 {
      %shift_right_arithmetic3A = arith.constant 3 : i32
      %shift_right_arithmetic3A_13 = arith.shrsi %scan3A_11, %shift_right_arithmetic3A : i32
      %and3A = arith.constant 7 : i32
      %and3A_14 = arith.andi %scan3A_11, %and3A : i32
      %mul3A_15 = arith.constant 16 : i32
      %mul3A_16 = arith.muli %and3A_14, %mul3A_15 : i32
      %get3A = arith.index_cast %shift_right_arithmetic3A_13 : i32 to index
      %get3A_17 = arith.index_cast %mul3A_16 : i32 to index
      %get3A_18 = tpu.vector_load %arg5[%get3A, %get3A_17] {strides = array<i32>} : memref<4x128xi32, #tpu.memory_space<vmem>>, vector<1x16xi32>,
      %get3A_19 = vector.shape_cast %get3A_18 : vector<1x16xi32> to vector<16xi32>
      %shift_right_arithmetic3A_20 = arith.constant 14 : i32
      %shift_right_arithmetic3A_21 = vector.broadcast %shift_right_arithmetic3A_20 : i32 to vector<16xi32>
      %shift_right_arithmetic3A_22 = arith.shrsi %get3A_19, %shift_right_arithmetic3A_21 : vector<16xi32>
      %shift_left3A = arith.constant 13 : i32
      %shift_left3A_23 = vector.broadcast %shift_left3A : i32 to vector<16xi32>
      %shift_left3A_24 = arith.shli %shift_right_arithmetic3A_22, %shift_left3A_23 : vector<16xi32>
      %and3A_25 = arith.constant 8191 : i32
      %and3A_26 = vector.broadcast %and3A_25 : i32 to vector<16xi32>
      %and3A_27 = arith.andi %get3A_19, %and3A_26 : vector<16xi32>
      %or3A = arith.ori %shift_left3A_24, %and3A_27 : vector<16xi32>
      %slice3A = vector.extract_strided_slice %or3A {offsets = [0], sizes = [1], strides = [1]} : vector<16xi32> to vector<1xi32>
      %squeeze3A = vector.extract %slice3A[0] : i32 from vector<1xi32>
      %mul3A_28 = arith.constant 16 : i32
      %mul3A_29 = arith.muli %scan3A_11, %mul3A_28 : i32
      %add3A_30 = arith.constant 0 : i32
      %add3A_31 = arith.addi %mul3A_29, %add3A_30 : i32
      %dma_start3A = arith.constant 0 : i32
      %dma_start3A_32 = tpu.memref_slice %arg6[%add3A_31, %dma_start3A] : memref<512x128xf32, #tpu.memory_space<vmem>> -> memref<1x128xf32, #tpu.memory_space<vmem>>
      %dma_start3A_33 = arith.constant 0 : i32
      %dma_start3A_34 = tpu.memref_slice %arg3[%squeeze3A, %dma_start3A_33] : memref<507904x128xf32, #tpu.memory_space<hbm>> -> memref<1x128xf32, #tpu.memory_space<hbm>>
      %dma_start3A_35 = arith.constant 0 : i32
      %dma_start3A_36 = tpu.memref_slice %arg6[%add3A_31, %dma_start3A_35] : memref<512x128xf32, #tpu.memory_space<vmem>> -> memref<1x128xf32, #tpu.memory_space<vmem>>
      %dma_start3A_37 = arith.constant 0 : i32
      %dma_start3A_38 = tpu.memref_slice %arg3[%squeeze3A, %dma_start3A_37] : memref<507904x128xf32, #tpu.memory_space<hbm>> -> memref<1x128xf32, #tpu.memory_space<hbm>>
      tpu.enqueue_dma source(%dma_start3A_38 : memref<1x128xf32, #tpu.memory_space<hbm>>) target(%dma_start3A_36 : memref<1x128xf32, #tpu.memory_space<vmem>>) target_semaphore(%arg7 : memref<!tpu.dma_semaphore, #tpu.memory_space<semaphore_mem>>)
      %slice3A_39 = vector.extract_strided_slice %or3A {offsets = [1], sizes = [1], strides = [1]} : vector<16xi32> to vector<1xi32>
      %squeeze3A_40 = vector.extract %slice3A_39[0] : i32 from vector<1xi32>
      %mul3A_41 = arith.constant 16 : i32
      %mul3A_42 = arith.muli %scan3A_11, %mul3A_41 : i32
      %add3A_43 = arith.constant 1 : i32
      %add3A_44 = arith.addi %mul3A_42, %add3A_43 : i32
      %dma_start3A_45 = arith.constant 0 : i32
      %dma_start3A_46 = tpu.memref_slice %arg6[%add3A_44, %dma_start3A_45] : memref<512x128xf32, #tpu.memory_space<vmem>> -> memref<1x128xf32, #tpu.memory_space<vmem>>
      %dma_start3A_47 = arith.constant 0 : i32
      %dma_start3A_48 = tpu.memref_slice %arg3[%squeeze3A_40, %dma_start3A_47] : memref<507904x128xf32, #tpu.memory_space<hbm>> -> memref<1x128xf32, #tpu.memory_space<hbm>>
      %dma_start3A_49 = arith.constant 0 : i32
      %dma_start3A_50 = tpu.memref_slice %arg6[%add3A_44, %dma_start3A_49] : memref<512x128xf32, #tpu.memory_space<vmem>> -> memref<1x128xf32, #tpu.memory_space<vmem>>
      %dma_start3A_51 = arith.constant 0 : i32
      %dma_start3A_52 = tpu.memref_slice %arg3[%squeeze3A_40, %dma_start3A_51] : memref<507904x128xf32, #tpu.memory_space<hbm>> -> memref<1x128xf32, #tpu.memory_space<hbm>>
      tpu.enqueue_dma source(%dma_start3A_52 : memref<1x128xf32, #tpu.memory_space<hbm>>) target(%dma_start3A_50 : memref<1x128xf32, #tpu.memory_space<vmem>>) target_semaphore(%arg7 : memref<!tpu.dma_semaphore, #tpu.memory_space<semaphore_mem>>)
      %slice3A_53 = vector.extract_strided_slice %or3A {offsets = [2], sizes = [1], strides = [1]} : vector<16xi32> to vector<1xi32>
      %squeeze3A_54 = vector.extract %slice3A_53[0] : i32 from vector<1xi32>
      %mul3A_55 = arith.constant 16 : i32
      %mul3A_56 = arith.muli %scan3A_11, %mul3A_55 : i32
      %add3A_57 = arith.constant 2 : i32
      %add3A_58 = arith.addi %mul3A_56, %add3A_57 : i32
      %dma_start3A_59 = arith.constant 0 : i32
      %dma_start3A_60 = tpu.memref_slice %arg6[%add3A_58, %dma_start3A_59] : memref<512x128xf32, #tpu.memory_space<vmem>> -> memref<1x128xf32, #tpu.memory_space<vmem>>
      %dma_start3A_61 = arith.constant 0 : i32
      %dma_start3A_62 = tpu.memref_slice %arg3[%squeeze3A_54, %dma_start3A_61] : memref<507904x128xf32, #tpu.memory_space<hbm>> -> memref<1x128xf32, #tpu.memory_space<hbm>>
      %dma_start3A_63 = arith.constant 0 : i32
      %dma_start3A_64 = tpu.memref_slice %arg6[%add3A_58, %dma_start3A_63] : memref<512x128xf32, #tpu.memory_space<vmem>> -> memref<1x128xf32, #tpu.memory_space<vmem>>
      %dma_start3A_65 = arith.constant 0 : i32
      %dma_start3A_66 = tpu.memref_slice %arg3[%squeeze3A_54, %dma_start3A_65] : memref<507904x128xf32, #tpu.memory_space<hbm>> -> memref<1x128xf32, #tpu.memory_space<hbm>>
      tpu.enqueue_dma source(%dma_start3A_66 : memref<1x128xf32, #tpu.memory_space<hbm>>) target(%dma_start3A_64 : memref<1x128xf32, #tpu.memory_space<vmem>>) target_semaphore(%arg7 : memref<!tpu.dma_semaphore, #tpu.memory_space<semaphore_mem>>)
      %slice3A_67 = vector.extract_strided_slice %or3A {offsets = [3], sizes = [1], strides = [1]} : vector<16xi32> to vector<1xi32>
      %squeeze3A_68 = vector.extract %slice3A_67[0] : i32 from vector<1xi32>
      %mul3A_69 = arith.constant 16 : i32
      %mul3A_70 = arith.muli %scan3A_11, %mul3A_69 : i32
      %add3A_71 = arith.constant 3 : i32
      %add3A_72 = arith.addi %mul3A_70, %add3A_71 : i32
      %dma_start3A_73 = arith.constant 0 : i32
      %dma_start3A_74 = tpu.memref_slice %arg6[%add3A_72, %dma_start3A_73] : memref<512x128xf32, #tpu.memory_space<vmem>> -> memref<1x128xf32, #tpu.memory_space<vmem>>
      %dma_start3A_75 = arith.constant 0 : i32
      %dma_start3A_76 = tpu.memref_slice %arg3[%squeeze3A_68, %dma_start3A_75] : memref<507904x128xf32, #tpu.memory_space<hbm>> -> memref<1x128xf32, #tpu.memory_space<hbm>>
      %dma_start3A_77 = arith.constant 0 : i32
      %dma_start3A_78 = tpu.memref_slice %arg6[%add3A_72, %dma_start3A_77] : memref<512x128xf32, #tpu.memory_space<vmem>> -> memref<1x128xf32, #tpu.memory_space<vmem>>
      %dma_start3A_79 = arith.constant 0 : i32
      %dma_start3A_80 = tpu.memref_slice %arg3[%squeeze3A_68, %dma_start3A_79] : memref<507904x128xf32, #tpu.memory_space<hbm>> -> memref<1x128xf32, #tpu.memory_space<hbm>>
      tpu.enqueue_dma source(%dma_start3A_80 : memref<1x128xf32, #tpu.memory_space<hbm>>) target(%dma_start3A_78 : memref<1x128xf32, #tpu.memory_space<vmem>>) target_semaphore(%arg7 : memref<!tpu.dma_semaphore, #tpu.memory_space<semaphore_mem>>)
      %slice3A_81 = vector.extract_strided_slice %or3A {offsets = [4], sizes = [1], strides = [1]} : vector<16xi32> to vector<1xi32>
      %squeeze3A_82 = vector.extract %slice3A_81[0] : i32 from vector<1xi32>
      %mul3A_83 = arith.constant 16 : i32
      %mul3A_84 = arith.muli %scan3A_11, %mul3A_83 : i32
      %add3A_85 = arith.constant 4 : i32
      %add3A_86 = arith.addi %mul3A_84, %add3A_85 : i32
      %dma_start3A_87 = arith.constant 0 : i32
      %dma_start3A_88 = tpu.memref_slice %arg6[%add3A_86, %dma_start3A_87] : memref<512x128xf32, #tpu.memory_space<vmem>> -> memref<1x128xf32, #tpu.memory_space<vmem>>
      %dma_start3A_89 = arith.constant 0 : i32
      %dma_start3A_90 = tpu.memref_slice %arg3[%squeeze3A_82, %dma_start3A_89] : memref<507904x128xf32, #tpu.memory_space<hbm>> -> memref<1x128xf32, #tpu.memory_space<hbm>>
      %dma_start3A_91 = arith.constant 0 : i32
      %dma_start3A_92 = tpu.memref_slice %arg6[%add3A_86, %dma_start3A_91] : memref<512x128xf32, #tpu.memory_space<vmem>> -> memref<1x128xf32, #tpu.memory_space<vmem>>
      %dma_start3A_93 = arith.constant 0 : i32
      %dma_start3A_94 = tpu.memref_slice %arg3[%squeeze3A_82, %dma_start3A_93] : memref<507904x128xf32, #tpu.memory_space<hbm>> -> memref<1x128xf32, #tpu.memory_space<hbm>>
      tpu.enqueue_dma source(%dma_start3A_94 : memref<1x128xf32, #tpu.memory_space<hbm>>) target(%dma_start3A_92 : memref<1x128xf32, #tpu.memory_space<vmem>>) target_semaphore(%arg7 : memref<!tpu.dma_semaphore, #tpu.memory_space<semaphore_mem>>)
      %slice3A_95 = vector.extract_strided_slice %or3A {offsets = [5], sizes = [1], strides = [1]} : vector<16xi32> to vector<1xi32>
      %squeeze3A_96 = vector.extract %slice3A_95[0] : i32 from vector<1xi32>
      %mul3A_97 = arith.constant 16 : i32
      %mul3A_98 = arith.muli %scan3A_11, %mul3A_97 : i32
      %add3A_99 = arith.constant 5 : i32
      %add3A_100 = arith.addi %mul3A_98, %add3A_99 : i32
      %dma_start3A_101 = arith.constant 0 : i32
      %dma_start3A_102 = tpu.memref_slice %arg6[%add3A_100, %dma_start3A_101] : memref<512x128xf32, #tpu.memory_space<vmem>> -> memref<1x128xf32, #tpu.memory_space<vmem>>
      %dma_start3A_103 = arith.constant 0 : i32
      %dma_start3A_104 = tpu.memref_slice %arg3[%squeeze3A_96, %dma_start3A_103] : memref<507904x128xf32, #tpu.memory_space<hbm>> -> memref<1x128xf32, #tpu.memory_space<hbm>>
      %dma_start3A_105 = arith.constant 0 : i32
      %dma_start3A_106 = tpu.memref_slice %arg6[%add3A_100, %dma_start3A_105] : memref<512x128xf32, #tpu.memory_space<vmem>> -> memref<1x128xf32, #tpu.memory_space<vmem>>
      %dma_start3A_107 = arith.constant 0 : i32
      %dma_start3A_108 = tpu.memref_slice %arg3[%squeeze3A_96, %dma_start3A_107] : memref<507904x128xf32, #tpu.memory_space<hbm>> -> memref<1x128xf32, #tpu.memory_space<hbm>>
      tpu.enqueue_dma source(%dma_start3A_108 : memref<1x128xf32, #tpu.memory_space<hbm>>) target(%dma_start3A_106 : memref<1x128xf32, #tpu.memory_space<vmem>>) target_semaphore(%arg7 : memref<!tpu.dma_semaphore, #tpu.memory_space<semaphore_mem>>)
      %slice3A_109 = vector.extract_strided_slice %or3A {offsets = [6], sizes = [1], strides = [1]} : vector<16xi32> to vector<1xi32>
      %squeeze3A_110 = vector.extract %slice3A_109[0] : i32 from vector<1xi32>
      %mul3A_111 = arith.constant 16 : i32
      %mul3A_112 = arith.muli %scan3A_11, %mul3A_111 : i32
      %add3A_113 = arith.constant 6 : i32
      %add3A_114 = arith.addi %mul3A_112, %add3A_113 : i32
      %dma_start3A_115 = arith.constant 0 : i32
      %dma_start3A_116 = tpu.memref_slice %arg6[%add3A_114, %dma_start3A_115] : memref<512x128xf32, #tpu.memory_space<vmem>> -> memref<1x128xf32, #tpu.memory_space<vmem>>
      %dma_start3A_117 = arith.constant 0 : i32
      %dma_start3A_118 = tpu.memref_slice %arg3[%squeeze3A_110, %dma_start3A_117] : memref<507904x128xf32, #tpu.memory_space<hbm>> -> memref<1x128xf32, #tpu.memory_space<hbm>>
      %dma_start3A_119 = arith.constant 0 : i32
      %dma_start3A_120 = tpu.memref_slice %arg6[%add3A_114, %dma_start3A_119] : memref<512x128xf32, #tpu.memory_space<vmem>> -> memref<1x128xf32, #tpu.memory_space<vmem>>
      %dma_start3A_121 = arith.constant 0 : i32
      %dma_start3A_122 = tpu.memref_slice %arg3[%squeeze3A_110, %dma_start3A_121] : memref<507904x128xf32, #tpu.memory_space<hbm>> -> memref<1x128xf32, #tpu.memory_space<hbm>>
      tpu.enqueue_dma source(%dma_start3A_122 : memref<1x128xf32, #tpu.memory_space<hbm>>) target(%dma_start3A_120 : memref<1x128xf32, #tpu.memory_space<vmem>>) target_semaphore(%arg7 : memref<!tpu.dma_semaphore, #tpu.memory_space<semaphore_mem>>)
      %slice3A_123 = vector.extract_strided_slice %or3A {offsets = [7], sizes = [1], strides = [1]} : vector<16xi32> to vector<1xi32>
      %squeeze3A_124 = vector.extract %slice3A_123[0] : i32 from vector<1xi32>
      %mul3A_125 = arith.constant 16 : i32
      %mul3A_126 = arith.muli %scan3A_11, %mul3A_125 : i32
      %add3A_127 = arith.constant 7 : i32
      %add3A_128 = arith.addi %mul3A_126, %add3A_127 : i32
      %dma_start3A_129 = arith.constant 0 : i32
      %dma_start3A_130 = tpu.memref_slice %arg6[%add3A_128, %dma_start3A_129] : memref<512x128xf32, #tpu.memory_space<vmem>> -> memref<1x128xf32, #tpu.memory_space<vmem>>
      %dma_start3A_131 = arith.constant 0 : i32
      %dma_start3A_132 = tpu.memref_slice %arg3[%squeeze3A_124, %dma_start3A_131] : memref<507904x128xf32, #tpu.memory_space<hbm>> -> memref<1x128xf32, #tpu.memory_space<hbm>>
      %dma_start3A_133 = arith.constant 0 : i32
      %dma_start3A_134 = tpu.memref_slice %arg6[%add3A_128, %dma_start3A_133] : memref<512x128xf32, #tpu.memory_space<vmem>> -> memref<1x128xf32, #tpu.memory_space<vmem>>
      %dma_start3A_135 = arith.constant 0 : i32
      %dma_start3A_136 = tpu.memref_slice %arg3[%squeeze3A_124, %dma_start3A_135] : memref<507904x128xf32, #tpu.memory_space<hbm>> -> memref<1x128xf32, #tpu.memory_space<hbm>>
      tpu.enqueue_dma source(%dma_start3A_136 : memref<1x128xf32, #tpu.memory_space<hbm>>) target(%dma_start3A_134 : memref<1x128xf32, #tpu.memory_space<vmem>>) target_semaphore(%arg7 : memref<!tpu.dma_semaphore, #tpu.memory_space<semaphore_mem>>)
      %slice3A_137 = vector.extract_strided_slice %or3A {offsets = [8], sizes = [1], strides = [1]} : vector<16xi32> to vector<1xi32>
      %squeeze3A_138 = vector.extract %slice3A_137[0] : i32 from vector<1xi32>
      %mul3A_139 = arith.constant 16 : i32
      %mul3A_140 = arith.muli %scan3A_11, %mul3A_139 : i32
      %add3A_141 = arith.constant 8 : i32
      %add3A_142 = arith.addi %mul3A_140, %add3A_141 : i32
      %dma_start3A_143 = arith.constant 0 : i32
      %dma_start3A_144 = tpu.memref_slice %arg6[%add3A_142, %dma_start3A_143] : memref<512x128xf32, #tpu.memory_space<vmem>> -> memref<1x128xf32, #tpu.memory_space<vmem>>
      %dma_start3A_145 = arith.constant 0 : i32
      %dma_start3A_146 = tpu.memref_slice %arg3[%squeeze3A_138, %dma_start3A_145] : memref<507904x128xf32, #tpu.memory_space<hbm>> -> memref<1x128xf32, #tpu.memory_space<hbm>>
      %dma_start3A_147 = arith.constant 0 : i32
      %dma_start3A_148 = tpu.memref_slice %arg6[%add3A_142, %dma_start3A_147] : memref<512x128xf32, #tpu.memory_space<vmem>> -> memref<1x128xf32, #tpu.memory_space<vmem>>
      %dma_start3A_149 = arith.constant 0 : i32
      %dma_start3A_150 = tpu.memref_slice %arg3[%squeeze3A_138, %dma_start3A_149] : memref<507904x128xf32, #tpu.memory_space<hbm>> -> memref<1x128xf32, #tpu.memory_space<hbm>>
      tpu.enqueue_dma source(%dma_start3A_150 : memref<1x128xf32, #tpu.memory_space<hbm>>) target(%dma_start3A_148 : memref<1x128xf32, #tpu.memory_space<vmem>>) target_semaphore(%arg7 : memref<!tpu.dma_semaphore, #tpu.memory_space<semaphore_mem>>)
      %slice3A_151 = vector.extract_strided_slice %or3A {offsets = [9], sizes = [1], strides = [1]} : vector<16xi32> to vector<1xi32>
      %squeeze3A_152 = vector.extract %slice3A_151[0] : i32 from vector<1xi32>
      %mul3A_153 = arith.constant 16 : i32
      %mul3A_154 = arith.muli %scan3A_11, %mul3A_153 : i32
      %add3A_155 = arith.constant 9 : i32
      %add3A_156 = arith.addi %mul3A_154, %add3A_155 : i32
      %dma_start3A_157 = arith.constant 0 : i32
      %dma_start3A_158 = tpu.memref_slice %arg6[%add3A_156, %dma_start3A_157] : memref<512x128xf32, #tpu.memory_space<vmem>> -> memref<1x128xf32, #tpu.memory_space<vmem>>
      %dma_start3A_159 = arith.constant 0 : i32
      %dma_start3A_160 = tpu.memref_slice %arg3[%squeeze3A_152, %dma_start3A_159] : memref<507904x128xf32, #tpu.memory_space<hbm>> -> memref<1x128xf32, #tpu.memory_space<hbm>>
      %dma_start3A_161 = arith.constant 0 : i32
      %dma_start3A_162 = tpu.memref_slice %arg6[%add3A_156, %dma_start3A_161] : memref<512x128xf32, #tpu.memory_space<vmem>> -> memref<1x128xf32, #tpu.memory_space<vmem>>
      %dma_start3A_163 = arith.constant 0 : i32
      %dma_start3A_164 = tpu.memref_slice %arg3[%squeeze3A_152, %dma_start3A_163] : memref<507904x128xf32, #tpu.memory_space<hbm>> -> memref<1x128xf32, #tpu.memory_space<hbm>>
      tpu.enqueue_dma source(%dma_start3A_164 : memref<1x128xf32, #tpu.memory_space<hbm>>) target(%dma_start3A_162 : memref<1x128xf32, #tpu.memory_space<vmem>>) target_semaphore(%arg7 : memref<!tpu.dma_semaphore, #tpu.memory_space<semaphore_mem>>)
      %slice3A_165 = vector.extract_strided_slice %or3A {offsets = [10], sizes = [1], strides = [1]} : vector<16xi32> to vector<1xi32>
      %squeeze3A_166 = vector.extract %slice3A_165[0] : i32 from vector<1xi32>
      %mul3A_167 = arith.constant 16 : i32
      %mul3A_168 = arith.muli %scan3A_11, %mul3A_167 : i32
      %add3A_169 = arith.constant 10 : i32
      %add3A_170 = arith.addi %mul3A_168, %add3A_169 : i32
      %dma_start3A_171 = arith.constant 0 : i32
      %dma_start3A_172 = tpu.memref_slice %arg6[%add3A_170, %dma_start3A_171] : memref<512x128xf32, #tpu.memory_space<vmem>> -> memref<1x128xf32, #tpu.memory_space<vmem>>
      %dma_start3A_173 = arith.constant 0 : i32
      %dma_start3A_174 = tpu.memref_slice %arg3[%squeeze3A_166, %dma_start3A_173] : memref<507904x128xf32, #tpu.memory_space<hbm>> -> memref<1x128xf32, #tpu.memory_space<hbm>>
      %dma_start3A_175 = arith.constant 0 : i32
      %dma_start3A_176 = tpu.memref_slice %arg6[%add3A_170, %dma_start3A_175] : memref<512x128xf32, #tpu.memory_space<vmem>> -> memref<1x128xf32, #tpu.memory_space<vmem>>
      %dma_start3A_177 = arith.constant 0 : i32
      %dma_start3A_178 = tpu.memref_slice %arg3[%squeeze3A_166, %dma_start3A_177] : memref<507904x128xf32, #tpu.memory_space<hbm>> -> memref<1x128xf32, #tpu.memory_space<hbm>>
      tpu.enqueue_dma source(%dma_start3A_178 : memref<1x128xf32, #tpu.memory_space<hbm>>) target(%dma_start3A_176 : memref<1x128xf32, #tpu.memory_space<vmem>>) target_semaphore(%arg7 : memref<!tpu.dma_semaphore, #tpu.memory_space<semaphore_mem>>)
      %slice3A_179 = vector.extract_strided_slice %or3A {offsets = [11], sizes = [1], strides = [1]} : vector<16xi32> to vector<1xi32>
      %squeeze3A_180 = vector.extract %slice3A_179[0] : i32 from vector<1xi32>
      %mul3A_181 = arith.constant 16 : i32
      %mul3A_182 = arith.muli %scan3A_11, %mul3A_181 : i32
      %add3A_183 = arith.constant 11 : i32
      %add3A_184 = arith.addi %mul3A_182, %add3A_183 : i32
      %dma_start3A_185 = arith.constant 0 : i32
      %dma_start3A_186 = tpu.memref_slice %arg6[%add3A_184, %dma_start3A_185] : memref<512x128xf32, #tpu.memory_space<vmem>> -> memref<1x128xf32, #tpu.memory_space<vmem>>
      %dma_start3A_187 = arith.constant 0 : i32
      %dma_start3A_188 = tpu.memref_slice %arg3[%squeeze3A_180, %dma_start3A_187] : memref<507904x128xf32, #tpu.memory_space<hbm>> -> memref<1x128xf32, #tpu.memory_space<hbm>>
      %dma_start3A_189 = arith.constant 0 : i32
      %dma_start3A_190 = tpu.memref_slice %arg6[%add3A_184, %dma_start3A_189] : memref<512x128xf32, #tpu.memory_space<vmem>> -> memref<1x128xf32, #tpu.memory_space<vmem>>
      %dma_start3A_191 = arith.constant 0 : i32
      %dma_start3A_192 = tpu.memref_slice %arg3[%squeeze3A_180, %dma_start3A_191] : memref<507904x128xf32, #tpu.memory_space<hbm>> -> memref<1x128xf32, #tpu.memory_space<hbm>>
      tpu.enqueue_dma source(%dma_start3A_192 : memref<1x128xf32, #tpu.memory_space<hbm>>) target(%dma_start3A_190 : memref<1x128xf32, #tpu.memory_space<vmem>>) target_semaphore(%arg7 : memref<!tpu.dma_semaphore, #tpu.memory_space<semaphore_mem>>)
      %slice3A_193 = vector.extract_strided_slice %or3A {offsets = [12], sizes = [1], strides = [1]} : vector<16xi32> to vector<1xi32>
      %squeeze3A_194 = vector.extract %slice3A_193[0] : i32 from vector<1xi32>
      %mul3A_195 = arith.constant 16 : i32
      %mul3A_196 = arith.muli %scan3A_11, %mul3A_195 : i32
      %add3A_197 = arith.constant 12 : i32
      %add3A_198 = arith.addi %mul3A_196, %add3A_197 : i32
      %dma_start3A_199 = arith.constant 0 : i32
      %dma_start3A_200 = tpu.memref_slice %arg6[%add3A_198, %dma_start3A_199] : memref<512x128xf32, #tpu.memory_space<vmem>> -> memref<1x128xf32, #tpu.memory_space<vmem>>
      %dma_start3A_201 = arith.constant 0 : i32
      %dma_start3A_202 = tpu.memref_slice %arg3[%squeeze3A_194, %dma_start3A_201] : memref<507904x128xf32, #tpu.memory_space<hbm>> -> memref<1x128xf32, #tpu.memory_space<hbm>>
      %dma_start3A_203 = arith.constant 0 : i32
      %dma_start3A_204 = tpu.memref_slice %arg6[%add3A_198, %dma_start3A_203] : memref<512x128xf32, #tpu.memory_space<vmem>> -> memref<1x128xf32, #tpu.memory_space<vmem>>
      %dma_start3A_205 = arith.constant 0 : i32
      %dma_start3A_206 = tpu.memref_slice %arg3[%squeeze3A_194, %dma_start3A_205] : memref<507904x128xf32, #tpu.memory_space<hbm>> -> memref<1x128xf32, #tpu.memory_space<hbm>>
      tpu.enqueue_dma source(%dma_start3A_206 : memref<1x128xf32, #tpu.memory_space<hbm>>) target(%dma_start3A_204 : memref<1x128xf32, #tpu.memory_space<vmem>>) target_semaphore(%arg7 : memref<!tpu.dma_semaphore, #tpu.memory_space<semaphore_mem>>)
      %slice3A_207 = vector.extract_strided_slice %or3A {offsets = [13], sizes = [1], strides = [1]} : vector<16xi32> to vector<1xi32>
      %squeeze3A_208 = vector.extract %slice3A_207[0] : i32 from vector<1xi32>
      %mul3A_209 = arith.constant 16 : i32
      %mul3A_210 = arith.muli %scan3A_11, %mul3A_209 : i32
      %add3A_211 = arith.constant 13 : i32
      %add3A_212 = arith.addi %mul3A_210, %add3A_211 : i32
      %dma_start3A_213 = arith.constant 0 : i32
      %dma_start3A_214 = tpu.memref_slice %arg6[%add3A_212, %dma_start3A_213] : memref<512x128xf32, #tpu.memory_space<vmem>> -> memref<1x128xf32, #tpu.memory_space<vmem>>
      %dma_start3A_215 = arith.constant 0 : i32
      %dma_start3A_216 = tpu.memref_slice %arg3[%squeeze3A_208, %dma_start3A_215] : memref<507904x128xf32, #tpu.memory_space<hbm>> -> memref<1x128xf32, #tpu.memory_space<hbm>>
      %dma_start3A_217 = arith.constant 0 : i32
      %dma_start3A_218 = tpu.memref_slice %arg6[%add3A_212, %dma_start3A_217] : memref<512x128xf32, #tpu.memory_space<vmem>> -> memref<1x128xf32, #tpu.memory_space<vmem>>
      %dma_start3A_219 = arith.constant 0 : i32
      %dma_start3A_220 = tpu.memref_slice %arg3[%squeeze3A_208, %dma_start3A_219] : memref<507904x128xf32, #tpu.memory_space<hbm>> -> memref<1x128xf32, #tpu.memory_space<hbm>>
      tpu.enqueue_dma source(%dma_start3A_220 : memref<1x128xf32, #tpu.memory_space<hbm>>) target(%dma_start3A_218 : memref<1x128xf32, #tpu.memory_space<vmem>>) target_semaphore(%arg7 : memref<!tpu.dma_semaphore, #tpu.memory_space<semaphore_mem>>)
      %slice3A_221 = vector.extract_strided_slice %or3A {offsets = [14], sizes = [1], strides = [1]} : vector<16xi32> to vector<1xi32>
      %squeeze3A_222 = vector.extract %slice3A_221[0] : i32 from vector<1xi32>
      %mul3A_223 = arith.constant 16 : i32
      %mul3A_224 = arith.muli %scan3A_11, %mul3A_223 : i32
      %add3A_225 = arith.constant 14 : i32
      %add3A_226 = arith.addi %mul3A_224, %add3A_225 : i32
      %dma_start3A_227 = arith.constant 0 : i32
      %dma_start3A_228 = tpu.memref_slice %arg6[%add3A_226, %dma_start3A_227] : memref<512x128xf32, #tpu.memory_space<vmem>> -> memref<1x128xf32, #tpu.memory_space<vmem>>
      %dma_start3A_229 = arith.constant 0 : i32
      %dma_start3A_230 = tpu.memref_slice %arg3[%squeeze3A_222, %dma_start3A_229] : memref<507904x128xf32, #tpu.memory_space<hbm>> -> memref<1x128xf32, #tpu.memory_space<hbm>>
      %dma_start3A_231 = arith.constant 0 : i32
      %dma_start3A_232 = tpu.memref_slice %arg6[%add3A_226, %dma_start3A_231] : memref<512x128xf32, #tpu.memory_space<vmem>> -> memref<1x128xf32, #tpu.memory_space<vmem>>
      %dma_start3A_233 = arith.constant 0 : i32
      %dma_start3A_234 = tpu.memref_slice %arg3[%squeeze3A_222, %dma_start3A_233] : memref<507904x128xf32, #tpu.memory_space<hbm>> -> memref<1x128xf32, #tpu.memory_space<hbm>>
      tpu.enqueue_dma source(%dma_start3A_234 : memref<1x128xf32, #tpu.memory_space<hbm>>) target(%dma_start3A_232 : memref<1x128xf32, #tpu.memory_space<vmem>>) target_semaphore(%arg7 : memref<!tpu.dma_semaphore, #tpu.memory_space<semaphore_mem>>)
      %slice3A_235 = vector.extract_strided_slice %or3A {offsets = [15], sizes = [1], strides = [1]} : vector<16xi32> to vector<1xi32>
      %squeeze3A_236 = vector.extract %slice3A_235[0] : i32 from vector<1xi32>
      %mul3A_237 = arith.constant 16 : i32
      %mul3A_238 = arith.muli %scan3A_11, %mul3A_237 : i32
      %add3A_239 = arith.constant 15 : i32
      %add3A_240 = arith.addi %mul3A_238, %add3A_239 : i32
      %dma_start3A_241 = arith.constant 0 : i32
      %dma_start3A_242 = tpu.memref_slice %arg6[%add3A_240, %dma_start3A_241] : memref<512x128xf32, #tpu.memory_space<vmem>> -> memref<1x128xf32, #tpu.memory_space<vmem>>
      %dma_start3A_243 = arith.constant 0 : i32
      %dma_start3A_244 = tpu.memref_slice %arg3[%squeeze3A_236, %dma_start3A_243] : memref<507904x128xf32, #tpu.memory_space<hbm>> -> memref<1x128xf32, #tpu.memory_space<hbm>>
      %dma_start3A_245 = arith.constant 0 : i32
      %dma_start3A_246 = tpu.memref_slice %arg6[%add3A_240, %dma_start3A_245] : memref<512x128xf32, #tpu.memory_space<vmem>> -> memref<1x128xf32, #tpu.memory_space<vmem>>
      %dma_start3A_247 = arith.constant 0 : i32
      %dma_start3A_248 = tpu.memref_slice %arg3[%squeeze3A_236, %dma_start3A_247] : memref<507904x128xf32, #tpu.memory_space<hbm>> -> memref<1x128xf32, #tpu.memory_space<hbm>>
      tpu.enqueue_dma source(%dma_start3A_248 : memref<1x128xf32, #tpu.memory_space<hbm>>) target(%dma_start3A_246 : memref<1x128xf32, #tpu.memory_space<vmem>>) target_semaphore(%arg7 : memref<!tpu.dma_semaphore, #tpu.memory_space<semaphore_mem>>)
      %dma_wait3A = arith.constant 0 : i32
      %dma_wait3A_249 = tpu.memref_slice %arg6[%add3A_31, %dma_wait3A] : memref<512x128xf32, #tpu.memory_space<vmem>> -> memref<1x128xf32, #tpu.memory_space<vmem>>
      %dma_wait3A_250 = arith.constant 0 : i32
      %dma_wait3A_251 = tpu.memref_slice %arg3[%squeeze3A, %dma_wait3A_250] : memref<507904x128xf32, #tpu.memory_space<hbm>> -> memref<1x128xf32, #tpu.memory_space<hbm>>
      %dma_wait3A_252 = arith.constant 0 : i32
      %dma_wait3A_253 = tpu.memref_slice %arg6[%add3A_31, %dma_wait3A_252] : memref<512x128xf32, #tpu.memory_space<vmem>> -> memref<1x128xf32, #tpu.memory_space<vmem>>
      %dma_wait3A_254 = arith.constant 0 : i32
      %dma_wait3A_255 = tpu.memref_slice %arg3[%squeeze3A, %dma_wait3A_254] : memref<507904x128xf32, #tpu.memory_space<hbm>> -> memref<1x128xf32, #tpu.memory_space<hbm>>
      tpu.wait_dma2 semaphore(%arg7 : memref<!tpu.dma_semaphore, #tpu.memory_space<semaphore_mem>>) src(%dma_wait3A_255 : memref<1x128xf32, #tpu.memory_space<hbm>>) dst(%dma_wait3A_253 : memref<1x128xf32, #tpu.memory_space<vmem>>)
      %dma_wait3A_256 = arith.constant 0 : i32
      %dma_wait3A_257 = tpu.memref_slice %arg6[%add3A_44, %dma_wait3A_256] : memref<512x128xf32, #tpu.memory_space<vmem>> -> memref<1x128xf32, #tpu.memory_space<vmem>>
      %dma_wait3A_258 = arith.constant 0 : i32
      %dma_wait3A_259 = tpu.memref_slice %arg3[%squeeze3A_40, %dma_wait3A_258] : memref<507904x128xf32, #tpu.memory_space<hbm>> -> memref<1x128xf32, #tpu.memory_space<hbm>>
      %dma_wait3A_260 = arith.constant 0 : i32
      %dma_wait3A_261 = tpu.memref_slice %arg6[%add3A_44, %dma_wait3A_260] : memref<512x128xf32, #tpu.memory_space<vmem>> -> memref<1x128xf32, #tpu.memory_space<vmem>>
      %dma_wait3A_262 = arith.constant 0 : i32
      %dma_wait3A_263 = tpu.memref_slice %arg3[%squeeze3A_40, %dma_wait3A_262] : memref<507904x128xf32, #tpu.memory_space<hbm>> -> memref<1x128xf32, #tpu.memory_space<hbm>>
      tpu.wait_dma2 semaphore(%arg7 : memref<!tpu.dma_semaphore, #tpu.memory_space<semaphore_mem>>) src(%dma_wait3A_263 : memref<1x128xf32, #tpu.memory_space<hbm>>) dst(%dma_wait3A_261 : memref<1x128xf32, #tpu.memory_space<vmem>>)
      %dma_wait3A_264 = arith.constant 0 : i32
      %dma_wait3A_265 = tpu.memref_slice %arg6[%add3A_58, %dma_wait3A_264] : memref<512x128xf32, #tpu.memory_space<vmem>> -> memref<1x128xf32, #tpu.memory_space<vmem>>
      %dma_wait3A_266 = arith.constant 0 : i32
      %dma_wait3A_267 = tpu.memref_slice %arg3[%squeeze3A_54, %dma_wait3A_266] : memref<507904x128xf32, #tpu.memory_space<hbm>> -> memref<1x128xf32, #tpu.memory_space<hbm>>
      %dma_wait3A_268 = arith.constant 0 : i32
      %dma_wait3A_269 = tpu.memref_slice %arg6[%add3A_58, %dma_wait3A_268] : memref<512x128xf32, #tpu.memory_space<vmem>> -> memref<1x128xf32, #tpu.memory_space<vmem>>
      %dma_wait3A_270 = arith.constant 0 : i32
      %dma_wait3A_271 = tpu.memref_slice %arg3[%squeeze3A_54, %dma_wait3A_270] : memref<507904x128xf32, #tpu.memory_space<hbm>> -> memref<1x128xf32, #tpu.memory_space<hbm>>
      tpu.wait_dma2 semaphore(%arg7 : memref<!tpu.dma_semaphore, #tpu.memory_space<semaphore_mem>>) src(%dma_wait3A_271 : memref<1x128xf32, #tpu.memory_space<hbm>>) dst(%dma_wait3A_269 : memref<1x128xf32, #tpu.memory_space<vmem>>)
      %dma_wait3A_272 = arith.constant 0 : i32
      %dma_wait3A_273 = tpu.memref_slice %arg6[%add3A_72, %dma_wait3A_272] : memref<512x128xf32, #tpu.memory_space<vmem>> -> memref<1x128xf32, #tpu.memory_space<vmem>>
      %dma_wait3A_274 = arith.constant 0 : i32
      %dma_wait3A_275 = tpu.memref_slice %arg3[%squeeze3A_68, %dma_wait3A_274] : memref<507904x128xf32, #tpu.memory_space<hbm>> -> memref<1x128xf32, #tpu.memory_space<hbm>>
      %dma_wait3A_276 = arith.constant 0 : i32
      %dma_wait3A_277 = tpu.memref_slice %arg6[%add3A_72, %dma_wait3A_276] : memref<512x128xf32, #tpu.memory_space<vmem>> -> memref<1x128xf32, #tpu.memory_space<vmem>>
      %dma_wait3A_278 = arith.constant 0 : i32
      %dma_wait3A_279 = tpu.memref_slice %arg3[%squeeze3A_68, %dma_wait3A_278] : memref<507904x128xf32, #tpu.memory_space<hbm>> -> memref<1x128xf32, #tpu.memory_space<hbm>>
      tpu.wait_dma2 semaphore(%arg7 : memref<!tpu.dma_semaphore, #tpu.memory_space<semaphore_mem>>) src(%dma_wait3A_279 : memref<1x128xf32, #tpu.memory_space<hbm>>) dst(%dma_wait3A_277 : memref<1x128xf32, #tpu.memory_space<vmem>>)
      %dma_wait3A_280 = arith.constant 0 : i32
      %dma_wait3A_281 = tpu.memref_slice %arg6[%add3A_86, %dma_wait3A_280] : memref<512x128xf32, #tpu.memory_space<vmem>> -> memref<1x128xf32, #tpu.memory_space<vmem>>
      %dma_wait3A_282 = arith.constant 0 : i32
      %dma_wait3A_283 = tpu.memref_slice %arg3[%squeeze3A_82, %dma_wait3A_282] : memref<507904x128xf32, #tpu.memory_space<hbm>> -> memref<1x128xf32, #tpu.memory_space<hbm>>
      %dma_wait3A_284 = arith.constant 0 : i32
      %dma_wait3A_285 = tpu.memref_slice %arg6[%add3A_86, %dma_wait3A_284] : memref<512x128xf32, #tpu.memory_space<vmem>> -> memref<1x128xf32, #tpu.memory_space<vmem>>
      %dma_wait3A_286 = arith.constant 0 : i32
      %dma_wait3A_287 = tpu.memref_slice %arg3[%squeeze3A_82, %dma_wait3A_286] : memref<507904x128xf32, #tpu.memory_space<hbm>> -> memref<1x128xf32, #tpu.memory_space<hbm>>
      tpu.wait_dma2 semaphore(%arg7 : memref<!tpu.dma_semaphore, #tpu.memory_space<semaphore_mem>>) src(%dma_wait3A_287 : memref<1x128xf32, #tpu.memory_space<hbm>>) dst(%dma_wait3A_285 : memref<1x128xf32, #tpu.memory_space<vmem>>)
      %dma_wait3A_288 = arith.constant 0 : i32
      %dma_wait3A_289 = tpu.memref_slice %arg6[%add3A_100, %dma_wait3A_288] : memref<512x128xf32, #tpu.memory_space<vmem>> -> memref<1x128xf32, #tpu.memory_space<vmem>>
      %dma_wait3A_290 = arith.constant 0 : i32
      %dma_wait3A_291 = tpu.memref_slice %arg3[%squeeze3A_96, %dma_wait3A_290] : memref<507904x128xf32, #tpu.memory_space<hbm>> -> memref<1x128xf32, #tpu.memory_space<hbm>>
      %dma_wait3A_292 = arith.constant 0 : i32
      %dma_wait3A_293 = tpu.memref_slice %arg6[%add3A_100, %dma_wait3A_292] : memref<512x128xf32, #tpu.memory_space<vmem>> -> memref<1x128xf32, #tpu.memory_space<vmem>>
      %dma_wait3A_294 = arith.constant 0 : i32
      %dma_wait3A_295 = tpu.memref_slice %arg3[%squeeze3A_96, %dma_wait3A_294] : memref<507904x128xf32, #tpu.memory_space<hbm>> -> memref<1x128xf32, #tpu.memory_space<hbm>>
      tpu.wait_dma2 semaphore(%arg7 : memref<!tpu.dma_semaphore, #tpu.memory_space<semaphore_mem>>) src(%dma_wait3A_295 : memref<1x128xf32, #tpu.memory_space<hbm>>) dst(%dma_wait3A_293 : memref<1x128xf32, #tpu.memory_space<vmem>>)
      %dma_wait3A_296 = arith.constant 0 : i32
      %dma_wait3A_297 = tpu.memref_slice %arg6[%add3A_114, %dma_wait3A_296] : memref<512x128xf32, #tpu.memory_space<vmem>> -> memref<1x128xf32, #tpu.memory_space<vmem>>
      %dma_wait3A_298 = arith.constant 0 : i32
      %dma_wait3A_299 = tpu.memref_slice %arg3[%squeeze3A_110, %dma_wait3A_298] : memref<507904x128xf32, #tpu.memory_space<hbm>> -> memref<1x128xf32, #tpu.memory_space<hbm>>
      %dma_wait3A_300 = arith.constant 0 : i32
      %dma_wait3A_301 = tpu.memref_slice %arg6[%add3A_114, %dma_wait3A_300] : memref<512x128xf32, #tpu.memory_space<vmem>> -> memref<1x128xf32, #tpu.memory_space<vmem>>
      %dma_wait3A_302 = arith.constant 0 : i32
      %dma_wait3A_303 = tpu.memref_slice %arg3[%squeeze3A_110, %dma_wait3A_302] : memref<507904x128xf32, #tpu.memory_space<hbm>> -> memref<1x128xf32, #tpu.memory_space<hbm>>
      tpu.wait_dma2 semaphore(%arg7 : memref<!tpu.dma_semaphore, #tpu.memory_space<semaphore_mem>>) src(%dma_wait3A_303 : memref<1x128xf32, #tpu.memory_space<hbm>>) dst(%dma_wait3A_301 : memref<1x128xf32, #tpu.memory_space<vmem>>)
      %dma_wait3A_304 = arith.constant 0 : i32
      %dma_wait3A_305 = tpu.memref_slice %arg6[%add3A_128, %dma_wait3A_304] : memref<512x128xf32, #tpu.memory_space<vmem>> -> memref<1x128xf32, #tpu.memory_space<vmem>>
      %dma_wait3A_306 = arith.constant 0 : i32
      %dma_wait3A_307 = tpu.memref_slice %arg3[%squeeze3A_124, %dma_wait3A_306] : memref<507904x128xf32, #tpu.memory_space<hbm>> -> memref<1x128xf32, #tpu.memory_space<hbm>>
      %dma_wait3A_308 = arith.constant 0 : i32
      %dma_wait3A_309 = tpu.memref_slice %arg6[%add3A_128, %dma_wait3A_308] : memref<512x128xf32, #tpu.memory_space<vmem>> -> memref<1x128xf32, #tpu.memory_space<vmem>>
      %dma_wait3A_310 = arith.constant 0 : i32
      %dma_wait3A_311 = tpu.memref_slice %arg3[%squeeze3A_124, %dma_wait3A_310] : memref<507904x128xf32, #tpu.memory_space<hbm>> -> memref<1x128xf32, #tpu.memory_space<hbm>>
      tpu.wait_dma2 semaphore(%arg7 : memref<!tpu.dma_semaphore, #tpu.memory_space<semaphore_mem>>) src(%dma_wait3A_311 : memref<1x128xf32, #tpu.memory_space<hbm>>) dst(%dma_wait3A_309 : memref<1x128xf32, #tpu.memory_space<vmem>>)
      %dma_wait3A_312 = arith.constant 0 : i32
      %dma_wait3A_313 = tpu.memref_slice %arg6[%add3A_142, %dma_wait3A_312] : memref<512x128xf32, #tpu.memory_space<vmem>> -> memref<1x128xf32, #tpu.memory_space<vmem>>
      %dma_wait3A_314 = arith.constant 0 : i32
      %dma_wait3A_315 = tpu.memref_slice %arg3[%squeeze3A_138, %dma_wait3A_314] : memref<507904x128xf32, #tpu.memory_space<hbm>> -> memref<1x128xf32, #tpu.memory_space<hbm>>
      %dma_wait3A_316 = arith.constant 0 : i32
      %dma_wait3A_317 = tpu.memref_slice %arg6[%add3A_142, %dma_wait3A_316] : memref<512x128xf32, #tpu.memory_space<vmem>> -> memref<1x128xf32, #tpu.memory_space<vmem>>
      %dma_wait3A_318 = arith.constant 0 : i32
      %dma_wait3A_319 = tpu.memref_slice %arg3[%squeeze3A_138, %dma_wait3A_318] : memref<507904x128xf32, #tpu.memory_space<hbm>> -> memref<1x128xf32, #tpu.memory_space<hbm>>
      tpu.wait_dma2 semaphore(%arg7 : memref<!tpu.dma_semaphore, #tpu.memory_space<semaphore_mem>>) src(%dma_wait3A_319 : memref<1x128xf32, #tpu.memory_space<hbm>>) dst(%dma_wait3A_317 : memref<1x128xf32, #tpu.memory_space<vmem>>)
      %dma_wait3A_320 = arith.constant 0 : i32
      %dma_wait3A_321 = tpu.memref_slice %arg6[%add3A_156, %dma_wait3A_320] : memref<512x128xf32, #tpu.memory_space<vmem>> -> memref<1x128xf32, #tpu.memory_space<vmem>>
      %dma_wait3A_322 = arith.constant 0 : i32
      %dma_wait3A_323 = tpu.memref_slice %arg3[%squeeze3A_152, %dma_wait3A_322] : memref<507904x128xf32, #tpu.memory_space<hbm>> -> memref<1x128xf32, #tpu.memory_space<hbm>>
      %dma_wait3A_324 = arith.constant 0 : i32
      %dma_wait3A_325 = tpu.memref_slice %arg6[%add3A_156, %dma_wait3A_324] : memref<512x128xf32, #tpu.memory_space<vmem>> -> memref<1x128xf32, #tpu.memory_space<vmem>>
      %dma_wait3A_326 = arith.constant 0 : i32
      %dma_wait3A_327 = tpu.memref_slice %arg3[%squeeze3A_152, %dma_wait3A_326] : memref<507904x128xf32, #tpu.memory_space<hbm>> -> memref<1x128xf32, #tpu.memory_space<hbm>>
      tpu.wait_dma2 semaphore(%arg7 : memref<!tpu.dma_semaphore, #tpu.memory_space<semaphore_mem>>) src(%dma_wait3A_327 : memref<1x128xf32, #tpu.memory_space<hbm>>) dst(%dma_wait3A_325 : memref<1x128xf32, #tpu.memory_space<vmem>>)
      %dma_wait3A_328 = arith.constant 0 : i32
      %dma_wait3A_329 = tpu.memref_slice %arg6[%add3A_170, %dma_wait3A_328] : memref<512x128xf32, #tpu.memory_space<vmem>> -> memref<1x128xf32, #tpu.memory_space<vmem>>
      %dma_wait3A_330 = arith.constant 0 : i32
      %dma_wait3A_331 = tpu.memref_slice %arg3[%squeeze3A_166, %dma_wait3A_330] : memref<507904x128xf32, #tpu.memory_space<hbm>> -> memref<1x128xf32, #tpu.memory_space<hbm>>
      %dma_wait3A_332 = arith.constant 0 : i32
      %dma_wait3A_333 = tpu.memref_slice %arg6[%add3A_170, %dma_wait3A_332] : memref<512x128xf32, #tpu.memory_space<vmem>> -> memref<1x128xf32, #tpu.memory_space<vmem>>
      %dma_wait3A_334 = arith.constant 0 : i32
      %dma_wait3A_335 = tpu.memref_slice %arg3[%squeeze3A_166, %dma_wait3A_334] : memref<507904x128xf32, #tpu.memory_space<hbm>> -> memref<1x128xf32, #tpu.memory_space<hbm>>
      tpu.wait_dma2 semaphore(%arg7 : memref<!tpu.dma_semaphore, #tpu.memory_space<semaphore_mem>>) src(%dma_wait3A_335 : memref<1x128xf32, #tpu.memory_space<hbm>>) dst(%dma_wait3A_333 : memref<1x128xf32, #tpu.memory_space<vmem>>)
      %dma_wait3A_336 = arith.constant 0 : i32
      %dma_wait3A_337 = tpu.memref_slice %arg6[%add3A_184, %dma_wait3A_336] : memref<512x128xf32, #tpu.memory_space<vmem>> -> memref<1x128xf32, #tpu.memory_space<vmem>>
      %dma_wait3A_338 = arith.constant 0 : i32
      %dma_wait3A_339 = tpu.memref_slice %arg3[%squeeze3A_180, %dma_wait3A_338] : memref<507904x128xf32, #tpu.memory_space<hbm>> -> memref<1x128xf32, #tpu.memory_space<hbm>>
      %dma_wait3A_340 = arith.constant 0 : i32
      %dma_wait3A_341 = tpu.memref_slice %arg6[%add3A_184, %dma_wait3A_340] : memref<512x128xf32, #tpu.memory_space<vmem>> -> memref<1x128xf32, #tpu.memory_space<vmem>>
      %dma_wait3A_342 = arith.constant 0 : i32
      %dma_wait3A_343 = tpu.memref_slice %arg3[%squeeze3A_180, %dma_wait3A_342] : memref<507904x128xf32, #tpu.memory_space<hbm>> -> memref<1x128xf32, #tpu.memory_space<hbm>>
      tpu.wait_dma2 semaphore(%arg7 : memref<!tpu.dma_semaphore, #tpu.memory_space<semaphore_mem>>) src(%dma_wait3A_343 : memref<1x128xf32, #tpu.memory_space<hbm>>) dst(%dma_wait3A_341 : memref<1x128xf32, #tpu.memory_space<vmem>>)
      %dma_wait3A_344 = arith.constant 0 : i32
      %dma_wait3A_345 = tpu.memref_slice %arg6[%add3A_198, %dma_wait3A_344] : memref<512x128xf32, #tpu.memory_space<vmem>> -> memref<1x128xf32, #tpu.memory_space<vmem>>
      %dma_wait3A_346 = arith.constant 0 : i32
      %dma_wait3A_347 = tpu.memref_slice %arg3[%squeeze3A_194, %dma_wait3A_346] : memref<507904x128xf32, #tpu.memory_space<hbm>> -> memref<1x128xf32, #tpu.memory_space<hbm>>
      %dma_wait3A_348 = arith.constant 0 : i32
      %dma_wait3A_349 = tpu.memref_slice %arg6[%add3A_198, %dma_wait3A_348] : memref<512x128xf32, #tpu.memory_space<vmem>> -> memref<1x128xf32, #tpu.memory_space<vmem>>
      %dma_wait3A_350 = arith.constant 0 : i32
      %dma_wait3A_351 = tpu.memref_slice %arg3[%squeeze3A_194, %dma_wait3A_350] : memref<507904x128xf32, #tpu.memory_space<hbm>> -> memref<1x128xf32, #tpu.memory_space<hbm>>
      tpu.wait_dma2 semaphore(%arg7 : memref<!tpu.dma_semaphore, #tpu.memory_space<semaphore_mem>>) src(%dma_wait3A_351 : memref<1x128xf32, #tpu.memory_space<hbm>>) dst(%dma_wait3A_349 : memref<1x128xf32, #tpu.memory_space<vmem>>)
      %dma_wait3A_352 = arith.constant 0 : i32
      %dma_wait3A_353 = tpu.memref_slice %arg6[%add3A_212, %dma_wait3A_352] : memref<512x128xf32, #tpu.memory_space<vmem>> -> memref<1x128xf32, #tpu.memory_space<vmem>>
      %dma_wait3A_354 = arith.constant 0 : i32
      %dma_wait3A_355 = tpu.memref_slice %arg3[%squeeze3A_208, %dma_wait3A_354] : memref<507904x128xf32, #tpu.memory_space<hbm>> -> memref<1x128xf32, #tpu.memory_space<hbm>>
      %dma_wait3A_356 = arith.constant 0 : i32
      %dma_wait3A_357 = tpu.memref_slice %arg6[%add3A_212, %dma_wait3A_356] : memref<512x128xf32, #tpu.memory_space<vmem>> -> memref<1x128xf32, #tpu.memory_space<vmem>>
      %dma_wait3A_358 = arith.constant 0 : i32
      %dma_wait3A_359 = tpu.memref_slice %arg3[%squeeze3A_208, %dma_wait3A_358] : memref<507904x128xf32, #tpu.memory_space<hbm>> -> memref<1x128xf32, #tpu.memory_space<hbm>>
      tpu.wait_dma2 semaphore(%arg7 : memref<!tpu.dma_semaphore, #tpu.memory_space<semaphore_mem>>) src(%dma_wait3A_359 : memref<1x128xf32, #tpu.memory_space<hbm>>) dst(%dma_wait3A_357 : memref<1x128xf32, #tpu.memory_space<vmem>>)
      %dma_wait3A_360 = arith.constant 0 : i32
      %dma_wait3A_361 = tpu.memref_slice %arg6[%add3A_226, %dma_wait3A_360] : memref<512x128xf32, #tpu.memory_space<vmem>> -> memref<1x128xf32, #tpu.memory_space<vmem>>
      %dma_wait3A_362 = arith.constant 0 : i32
      %dma_wait3A_363 = tpu.memref_slice %arg3[%squeeze3A_222, %dma_wait3A_362] : memref<507904x128xf32, #tpu.memory_space<hbm>> -> memref<1x128xf32, #tpu.memory_space<hbm>>
      %dma_wait3A_364 = arith.constant 0 : i32
      %dma_wait3A_365 = tpu.memref_slice %arg6[%add3A_226, %dma_wait3A_364] : memref<512x128xf32, #tpu.memory_space<vmem>> -> memref<1x128xf32, #tpu.memory_space<vmem>>
      %dma_wait3A_366 = arith.constant 0 : i32
      %dma_wait3A_367 = tpu.memref_slice %arg3[%squeeze3A_222, %dma_wait3A_366] : memref<507904x128xf32, #tpu.memory_space<hbm>> -> memref<1x128xf32, #tpu.memory_space<hbm>>
      tpu.wait_dma2 semaphore(%arg7 : memref<!tpu.dma_semaphore, #tpu.memory_space<semaphore_mem>>) src(%dma_wait3A_367 : memref<1x128xf32, #tpu.memory_space<hbm>>) dst(%dma_wait3A_365 : memref<1x128xf32, #tpu.memory_space<vmem>>)
      %dma_wait3A_368 = arith.constant 0 : i32
      %dma_wait3A_369 = tpu.memref_slice %arg6[%add3A_240, %dma_wait3A_368] : memref<512x128xf32, #tpu.memory_space<vmem>> -> memref<1x128xf32, #tpu.memory_space<vmem>>
      %dma_wait3A_370 = arith.constant 0 : i32
      %dma_wait3A_371 = tpu.memref_slice %arg3[%squeeze3A_236, %dma_wait3A_370] : memref<507904x128xf32, #tpu.memory_space<hbm>> -> memref<1x128xf32, #tpu.memory_space<hbm>>
      %dma_wait3A_372 = arith.constant 0 : i32
      %dma_wait3A_373 = tpu.memref_slice %arg6[%add3A_240, %dma_wait3A_372] : memref<512x128xf32, #tpu.memory_space<vmem>> -> memref<1x128xf32, #tpu.memory_space<vmem>>
      %dma_wait3A_374 = arith.constant 0 : i32
      %dma_wait3A_375 = tpu.memref_slice %arg3[%squeeze3A_236, %dma_wait3A_374] : memref<507904x128xf32, #tpu.memory_space<hbm>> -> memref<1x128xf32, #tpu.memory_space<hbm>>
      tpu.wait_dma2 semaphore(%arg7 : memref<!tpu.dma_semaphore, #tpu.memory_space<semaphore_mem>>) src(%dma_wait3A_375 : memref<1x128xf32, #tpu.memory_space<hbm>>) dst(%dma_wait3A_373 : memref<1x128xf32, #tpu.memory_space<vmem>>)
      %scan3A_376 = arith.constant 0 : i32
      scf.yield %scan3A_376 : i32
    }
    %scan3A_10 = arith.constant 32 : i32
    "tpu.region"() ({
      %run_scoped3A = tpu.sem_alloc : memref<!tpu.dma_semaphore, #tpu.memory_space<semaphore_mem>>
      %dma_start3A = arith.constant 0 : i32
      %dma_start3A_11 = tpu.memref_slice %arg4[%mul3A_4, %dma_start3A] : memref<16384x128xf32, #tpu.memory_space<hbm>> -> memref<512x128xf32, #tpu.memory_space<hbm>>
      %dma_start3A_12 = arith.constant 0 : i32
      %dma_start3A_13 = tpu.memref_slice %arg4[%mul3A_4, %dma_start3A_12] : memref<16384x128xf32, #tpu.memory_space<hbm>> -> memref<512x128xf32, #tpu.memory_space<hbm>>
      tpu.enqueue_dma source(%arg6 : memref<512x128xf32, #tpu.memory_space<vmem>>) target(%dma_start3A_13 : memref<512x128xf32, #tpu.memory_space<hbm>>) target_semaphore(%run_scoped3A : memref<!tpu.dma_semaphore, #tpu.memory_space<semaphore_mem>>)
      %dma_wait3A = arith.constant 0 : i32
      %dma_wait3A_14 = tpu.memref_slice %arg4[%mul3A_4, %dma_wait3A] : memref<16384x128xf32, #tpu.memory_space<hbm>> -> memref<512x128xf32, #tpu.memory_space<hbm>>
      %dma_wait3A_15 = arith.constant 0 : i32
      %dma_wait3A_16 = tpu.memref_slice %arg4[%mul3A_4, %dma_wait3A_15] : memref<16384x128xf32, #tpu.memory_space<hbm>> -> memref<512x128xf32, #tpu.memory_space<hbm>>
      tpu.wait_dma2 semaphore(%run_scoped3A : memref<!tpu.dma_semaphore, #tpu.memory_space<semaphore_mem>>) src(%arg6 : memref<512x128xf32, #tpu.memory_space<vmem>>) dst(%dma_wait3A_16 : memref<512x128xf32, #tpu.memory_space<hbm>>)
      tpu.yield
    }) : () -> ()
    return
  }
}

module attributes {stable_mosaic.version = 14 : i64} {
  func.func @_pack_body(%arg0: i32, %arg1: memref<64x16384xf32, #tpu.memory_space<vmem>>, %arg2: memref<8192x128xf32, #tpu.memory_space<vmem>>) attributes {dimension_semantics = [#tpu.dimension_semantics<arbitrary>], iteration_bounds = array<i64: 62>, scalar_prefetch = 0 : i64, scratch_operands = 0 : i64, tpu.core_type = #tpu.core_type<tc>, window_params = [{transform_indices = @transform_0, window_bounds = array<i64: 64, 16384>}, {transform_indices = @transform_1, window_bounds = array<i64: 8192, 128>}]} {
    %iota3A = tpu.iota {dimensions = array<i32: 0>} : vector<64x64xi32>
    %iota3A_0 = tpu.iota {dimensions = array<i32: 1>} : vector<64x64xi32>
    %add3A = arith.constant 0 : i32
    %add3A_1 = vector.broadcast %add3A : i32 to vector<64x64xi32>
    %add3A_2 = arith.addi %iota3A, %add3A_1 : vector<64x64xi32>
    %eq3A = arith.cmpi eq, %add3A_2, %iota3A_0 : vector<64x64xi32>
    %convert_element_type3A = arith.extui %eq3A : vector<64x64xi1> to vector<64x64xi32>
    %convert_element_type3A_3 = arith.sitofp %convert_element_type3A : vector<64x64xi32> to vector<64x64xf32>
    %get3A = arith.constant 0 : index
    %get3A_4 = arith.constant 0 : index
    %get3A_5 = vector.load %arg1[%get3A, %get3A_4] : memref<64x16384xf32, #tpu.memory_space<vmem>>, vector<64x16384xf32>
    %slice3A = vector.extract_strided_slice %get3A_5 {offsets = [0, 0], sizes = [64, 8192], strides = [1, 1]} : vector<64x16384xf32> to vector<64x8192xf32>
    %dot_general3A = arith.constant dense<0.000000e+00> : vector<8192x64xf32>
    %dot_general3A_6 = tpu.matmul %slice3A, %convert_element_type3A_3, %dot_general3A {dimension_numbers = #tpu.dot_dimension_numbers<[0], [0], [1], [1], [0, 1, 1, 1], [], []>, transpose_lhs_hint = false} : vector<64x8192xf32>, vector<64x64xf32>, vector<8192x64xf32> -> vector<8192x64xf32>
    %swap3A = arith.constant 0 : index
    %swap3A_7 = arith.constant 0 : index
    %swap3A_8 = vector.load %arg2[%swap3A, %swap3A_7] : memref<8192x128xf32, #tpu.memory_space<vmem>>, vector<8192x64xf32>
    tpu.vector_store %arg2[%swap3A, %swap3A_7], %dot_general3A_6 {strides = array<i32>} : memref<8192x128xf32, #tpu.memory_space<vmem>>, vector<8192x64xf32>,
    %slice3A_9 = vector.extract_strided_slice %get3A_5 {offsets = [0, 8192], sizes = [64, 8192], strides = [1, 1]} : vector<64x16384xf32> to vector<64x8192xf32>
    %dot_general3A_10 = arith.constant dense<0.000000e+00> : vector<8192x64xf32>
    %dot_general3A_11 = tpu.matmul %slice3A_9, %convert_element_type3A_3, %dot_general3A_10 {dimension_numbers = #tpu.dot_dimension_numbers<[0], [0], [1], [1], [0, 1, 1, 1], [], []>, transpose_lhs_hint = false} : vector<64x8192xf32>, vector<64x64xf32>, vector<8192x64xf32> -> vector<8192x64xf32>
    %swap3A_12 = arith.constant 0 : index
    %swap3A_13 = arith.constant 64 : index
    %swap3A_14 = vector.load %arg2[%swap3A_12, %swap3A_13] : memref<8192x128xf32, #tpu.memory_space<vmem>>, vector<8192x64xf32>
    tpu.vector_store %arg2[%swap3A_12, %swap3A_13], %dot_general3A_11 {strides = array<i32>} : memref<8192x128xf32, #tpu.memory_space<vmem>>, vector<8192x64xf32>,
    return
  }
  func.func @transform_0(%arg0: i32) -> (i32, i32) {
    %c0_i32 = arith.constant 0 : i32
    %c0_i32_0 = arith.constant 0 : i32
    return %c0_i32, %arg0 : i32, i32
  }
  func.func @transform_1(%arg0: i32) -> (i32, i32) {
    %c0_i32 = arith.constant 0 : i32
    %c0_i32_0 = arith.constant 0 : i32
    return %arg0, %c0_i32 : i32, i32
  }
}

module attributes {stable_mosaic.version = 14 : i64} {
  func.func @_mlp_body(%arg0: i32, %arg1: memref<2048x128xf32, #tpu.memory_space<vmem>>, %arg2: memref<2048x128xf32, #tpu.memory_space<vmem>>, %arg3: memref<2048x1xf32, #tpu.memory_space<vmem>>, %arg4: memref<2048x1xf32, #tpu.memory_space<vmem>>, %arg5: memref<128x128xf32, #tpu.memory_space<vmem>>, %arg6: memref<128x128xf32, #tpu.memory_space<vmem>>, %arg7: memref<1x128xf32, #tpu.memory_space<vmem>>, %arg8: memref<1x128xf32, #tpu.memory_space<vmem>>, %arg9: memref<1x1xf32, #tpu.memory_space<vmem>>, %arg10: memref<2048x1xf32, #tpu.memory_space<vmem>>) attributes {dimension_semantics = [#tpu.dimension_semantics<arbitrary>], iteration_bounds = array<i64: 8>, scalar_prefetch = 0 : i64, scratch_operands = 0 : i64, tpu.core_type = #tpu.core_type<tc>, window_params = [{transform_indices = @transform_0, window_bounds = array<i64: 2048, 128>}, {transform_indices = @transform_1, window_bounds = array<i64: 2048, 128>}, {transform_indices = @transform_2, window_bounds = array<i64: 2048, 1>}, {transform_indices = @transform_3, window_bounds = array<i64: 2048, 1>}, {pipeline_mode = #tpu.pipeline_mode<synchronous>, transform_indices = @transform_4, window_bounds = array<i64: 128, 128>}, {pipeline_mode = #tpu.pipeline_mode<synchronous>, transform_indices = @transform_5, window_bounds = array<i64: 128, 128>}, {pipeline_mode = #tpu.pipeline_mode<synchronous>, transform_indices = @transform_6, window_bounds = array<i64: 1, 128>}, {pipeline_mode = #tpu.pipeline_mode<synchronous>, transform_indices = @transform_7, window_bounds = array<i64: 1, 128>}, {pipeline_mode = #tpu.pipeline_mode<synchronous>, transform_indices = @transform_8, window_bounds = array<i64: 1, 1>}, {transform_indices = @transform_9, window_bounds = array<i64: 2048, 1>}]} {
    %iota3A = tpu.iota {dimensions = array<i32: 1>} : vector<2048x128xi32>
    %convert_element_type3A = arith.sitofp %iota3A : vector<2048x128xi32> to vector<2048x128xf32>
    %ge3A = arith.constant 6.400000e+01 : f32
    %ge3A_0 = vector.broadcast %ge3A : f32 to vector<2048x128xf32>
    %ge3A_1 = arith.cmpf oge, %convert_element_type3A, %ge3A_0 : vector<2048x128xf32>
    %get3A = arith.constant 0 : index
    %get3A_2 = arith.constant 0 : index
    %get3A_3 = vector.load %arg3[%get3A, %get3A_2] : memref<2048x1xf32, #tpu.memory_space<vmem>>, vector<2048x1xf32>
    %gt3A = arith.constant 5.000000e-01 : f32
    %gt3A_4 = vector.broadcast %gt3A : f32 to vector<2048x1xf32>
    %gt3A_5 = arith.cmpf ogt, %get3A_3, %gt3A_4 : vector<2048x1xf32>
    %eq3A = vector.broadcast %gt3A_5 : vector<2048x1xi1> to vector<2048x128xi1>
    %eq3A_6 = vector.broadcast %eq3A : vector<2048x128xi1> to vector<2048x128xi1>
    %eq3A_7 = arith.xori %ge3A_1, %eq3A_6 : vector<2048x128xi1>
    %eq3A_8 = arith.constant dense<true> : vector<2048x128xi1>
    %eq3A_9 = arith.xori %eq3A_7, %eq3A_8 : vector<2048x128xi1>
    %get3A_10 = arith.constant 0 : index
    %get3A_11 = arith.constant 0 : index
    %get3A_12 = vector.load %arg1[%get3A_10, %get3A_11] : memref<2048x128xf32, #tpu.memory_space<vmem>>, vector<2048x128xf32>
    %jit3A = arith.constant 0.000000e+00 : f32
    %broadcast_in_dim3A = vector.broadcast %jit3A : f32 to vector<2048x128xf32>
    %select_n3A = arith.select %eq3A_9, %get3A_12, %broadcast_in_dim3A : vector<2048x128xi1>, vector<2048x128xf32>
    %ge3A_13 = arith.constant 6.400000e+01 : f32
    %ge3A_14 = vector.broadcast %ge3A_13 : f32 to vector<2048x128xf32>
    %ge3A_15 = arith.cmpf oge, %convert_element_type3A, %ge3A_14 : vector<2048x128xf32>
    %get3A_16 = arith.constant 0 : index
    %get3A_17 = arith.constant 0 : index
    %get3A_18 = vector.load %arg4[%get3A_16, %get3A_17] : memref<2048x1xf32, #tpu.memory_space<vmem>>, vector<2048x1xf32>
    %gt3A_19 = arith.constant 5.000000e-01 : f32
    %gt3A_20 = vector.broadcast %gt3A_19 : f32 to vector<2048x1xf32>
    %gt3A_21 = arith.cmpf ogt, %get3A_18, %gt3A_20 : vector<2048x1xf32>
    %eq3A_22 = vector.broadcast %gt3A_21 : vector<2048x1xi1> to vector<2048x128xi1>
    %eq3A_23 = vector.broadcast %eq3A_22 : vector<2048x128xi1> to vector<2048x128xi1>
    %eq3A_24 = arith.xori %ge3A_15, %eq3A_23 : vector<2048x128xi1>
    %eq3A_25 = arith.constant dense<true> : vector<2048x128xi1>
    %eq3A_26 = arith.xori %eq3A_24, %eq3A_25 : vector<2048x128xi1>
    %get3A_27 = arith.constant 0 : index
    %get3A_28 = arith.constant 0 : index
    %get3A_29 = vector.load %arg2[%get3A_27, %get3A_28] : memref<2048x128xf32, #tpu.memory_space<vmem>>, vector<2048x128xf32>
    %jit3A_30 = arith.constant 0.000000e+00 : f32
    %broadcast_in_dim3A_31 = vector.broadcast %jit3A_30 : f32 to vector<2048x128xf32>
    %select_n3A_32 = arith.select %eq3A_26, %get3A_29, %broadcast_in_dim3A_31 : vector<2048x128xi1>, vector<2048x128xf32>
    %get3A_33 = arith.constant 0 : index
    %get3A_34 = arith.constant 0 : index
    %get3A_35 = vector.load %arg5[%get3A_33, %get3A_34] : memref<128x128xf32, #tpu.memory_space<vmem>>, vector<128x128xf32>
    %dot_general3A = arith.constant dense<0.000000e+00> : vector<2048x128xf32>
    %dot_general3A_36 = tpu.matmul %select_n3A, %get3A_35, %dot_general3A {dimension_numbers = #tpu.dot_dimension_numbers<[1], [0], [0], [1], [0, 0, 1, 1], [], []>, transpose_lhs_hint = false} : vector<2048x128xf32>, vector<128x128xf32>, vector<2048x128xf32> -> vector<2048x128xf32>
    %get3A_37 = arith.constant 0 : index
    %get3A_38 = arith.constant 0 : index
    %get3A_39 = vector.load %arg6[%get3A_37, %get3A_38] : memref<128x128xf32, #tpu.memory_space<vmem>>, vector<128x128xf32>
    %dot_general3A_40 = arith.constant dense<0.000000e+00> : vector<2048x128xf32>
    %dot_general3A_41 = tpu.matmul %select_n3A_32, %get3A_39, %dot_general3A_40 {dimension_numbers = #tpu.dot_dimension_numbers<[1], [0], [0], [1], [0, 0, 1, 1], [], []>, transpose_lhs_hint = false} : vector<2048x128xf32>, vector<128x128xf32>, vector<2048x128xf32> -> vector<2048x128xf32>
    %add3A = arith.addf %dot_general3A_36, %dot_general3A_41 : vector<2048x128xf32>
    %get3A_42 = arith.constant 0 : index
    %get3A_43 = arith.constant 0 : index
    %get3A_44 = vector.load %arg7[%get3A_42, %get3A_43] : memref<1x128xf32, #tpu.memory_space<vmem>>, vector<1x128xf32>
    %add3A_45 = vector.broadcast %get3A_44 : vector<1x128xf32> to vector<2048x128xf32>
    %add3A_46 = arith.addf %add3A, %add3A_45 : vector<2048x128xf32>
    %max3A = arith.constant 0.000000e+00 : f32
    %max3A_47 = vector.broadcast %max3A : f32 to vector<2048x128xf32>
    %max3A_48 = arith.maximumf %add3A_46, %max3A_47 : vector<2048x128xf32>
    %get3A_49 = arith.constant 0 : index
    %get3A_50 = arith.constant 0 : index
    %get3A_51 = vector.load %arg8[%get3A_49, %get3A_50] : memref<1x128xf32, #tpu.memory_space<vmem>>, vector<1x128xf32>
    %mul3A = vector.broadcast %get3A_51 : vector<1x128xf32> to vector<2048x128xf32>
    %mul3A_52 = arith.mulf %max3A_48, %mul3A : vector<2048x128xf32>
    %reduce_sum3A = arith.constant dense<0.000000e+00> : vector<2048xf32>
    %reduce_sum3A_53 = vector.multi_reduction <add>, %mul3A_52, %reduce_sum3A [1] : vector<2048x128xf32> to vector<2048xf32>
    %broadcast_in_dim3A_54 = vector.shape_cast %reduce_sum3A_53 : vector<2048xf32> to vector<2048x1xf32>
    %get3A_55 = arith.constant 0 : index
    %get3A_56 = arith.constant 0 : index
    %get3A_57 = vector.load %arg9[%get3A_55, %get3A_56] : memref<1x1xf32, #tpu.memory_space<vmem>>, vector<1x1xf32>
    %add3A_58 = vector.broadcast %get3A_57 : vector<1x1xf32> to vector<2048x1xf32>
    %add3A_59 = arith.addf %broadcast_in_dim3A_54, %add3A_58 : vector<2048x1xf32>
    %neg3A = arith.constant 0.000000e+00 : f32
    %neg3A_60 = vector.broadcast %neg3A : f32 to vector<2048x1xf32>
    %neg3A_61 = arith.subf %neg3A_60, %add3A_59 : vector<2048x1xf32>
    %exp3A = math.exp %neg3A_61 : vector<2048x1xf32>
    %add3A_62 = arith.constant 1.000000e+00 : f32
    %add3A_63 = vector.broadcast %add3A_62 : f32 to vector<2048x1xf32>
    %add3A_64 = arith.addf %add3A_63, %exp3A : vector<2048x1xf32>
    %div3A = arith.constant 5.000000e+00 : f32
    %div3A_65 = vector.broadcast %div3A : f32 to vector<2048x1xf32>
    %div3A_66 = arith.divf %div3A_65, %add3A_64 : vector<2048x1xf32>
    %swap3A = arith.constant 0 : index
    %swap3A_67 = arith.constant 0 : index
    %swap3A_68 = vector.load %arg10[%swap3A, %swap3A_67] : memref<2048x1xf32, #tpu.memory_space<vmem>>, vector<2048x1xf32>
    tpu.vector_store %arg10[%swap3A, %swap3A_67], %div3A_66 {strides = array<i32>} : memref<2048x1xf32, #tpu.memory_space<vmem>>, vector<2048x1xf32>,
    return
  }
  func.func @transform_0(%arg0: i32) -> (i32, i32) {
    %c0_i32 = arith.constant 0 : i32
    %c0_i32_0 = arith.constant 0 : i32
    return %arg0, %c0_i32 : i32, i32
  }
  func.func @transform_1(%arg0: i32) -> (i32, i32) {
    %c0_i32 = arith.constant 0 : i32
    %c0_i32_0 = arith.constant 0 : i32
    return %arg0, %c0_i32 : i32, i32
  }
  func.func @transform_2(%arg0: i32) -> (i32, i32) {
    %c0_i32 = arith.constant 0 : i32
    %c0_i32_0 = arith.constant 0 : i32
    return %arg0, %c0_i32 : i32, i32
  }
  func.func @transform_3(%arg0: i32) -> (i32, i32) {
    %c0_i32 = arith.constant 0 : i32
    %c0_i32_0 = arith.constant 0 : i32
    return %arg0, %c0_i32 : i32, i32
  }
  func.func @transform_4(%arg0: i32) -> (i32, i32) {
    %c0_i32 = arith.constant 0 : i32
    %c0_i32_0 = arith.constant 0 : i32
    %c0_i32_1 = arith.constant 0 : i32
    return %c0_i32, %c0_i32_0 : i32, i32
  }
  func.func @transform_5(%arg0: i32) -> (i32, i32) {
    %c0_i32 = arith.constant 0 : i32
    %c0_i32_0 = arith.constant 0 : i32
    %c0_i32_1 = arith.constant 0 : i32
    return %c0_i32, %c0_i32_0 : i32, i32
  }
  func.func @transform_6(%arg0: i32) -> (i32, i32) {
    %c0_i32 = arith.constant 0 : i32
    %c0_i32_0 = arith.constant 0 : i32
    %c0_i32_1 = arith.constant 0 : i32
    return %c0_i32, %c0_i32_0 : i32, i32
  }
  func.func @transform_7(%arg0: i32) -> (i32, i32) {
    %c0_i32 = arith.constant 0 : i32
    %c0_i32_0 = arith.constant 0 : i32
    %c0_i32_1 = arith.constant 0 : i32
    return %c0_i32, %c0_i32_0 : i32, i32
  }
  func.func @transform_8(%arg0: i32) -> (i32, i32) {
    %c0_i32 = arith.constant 0 : i32
    %c0_i32_0 = arith.constant 0 : i32
    %c0_i32_1 = arith.constant 0 : i32
    return %c0_i32, %c0_i32_0 : i32, i32
  }
  func.func @transform_9(%arg0: i32) -> (i32, i32) {
    %c0_i32 = arith.constant 0 : i32
    %c0_i32_0 = arith.constant 0 : i32
    return %arg0, %c0_i32 : i32, i32
  }
}

</mosaic_0001>

<sc_bundles>
// kernel: kernel.10.cloned.1.call-start
scs
__scs_entry_jumppad:
0x0: {  	(pc) =	sbr.rel $0x88, $3  }
0x1: {  	(tag) =	ssettag $0x0;
	lr =	simm.s32 $0x1  }
0x2: {  	[smem:$0x3F9A] =	sst lr;
	_ =	strace $0xD0000000  }
0x3: {  	_ = 	snop  }
0x4: {  	_ = 	snop  }
0x5: {  	_ = 	snop  }
0x6: {  	_ = 	snop  }
0x7: {  	_ = 	snop  }
__scs_overlays_trampoline_lowered:
0x8: {  	[smem:$0x3FA9] =	sst s0  }
0x9: {  	[smem:$0x3FAA] =	sst s1  }
0xa: {  	[smem:$0x3FAB] =	sst s2  }
0xb: {  	[smem:$0x3FAC] =	sst s3  }
0xc: {  	[smem:$0x3FAD] =	sst s4  }
0xd: {  	[smem:$0x3FAE] =	sst s5  }
0xe: {  	[smem:$0x3FAF] =	sst s6  }
0xf: {  	[smem:$0x3FB0] =	sst s7  }
0x10: {  	[smem:$0x3FB1] =	sst s8  }
0x11: {  	[smem:$0x3FB2] =	sst s9;
	s0 =	simm.s32 @!p0 $0x0  }
0x12: {  	s1 =	sld [smem:$0x3F98];
	s0 =	simm.s32 @p0 $0x1  }
0x13: {  	[smem:$0x3FB3] =	sst s0;
	s0 =	simm.s32 @!p1 $0x0  }
0x14: {  	s2 =	sld [smem:$0x3F97];
	s0 =	simm.s32 @p1 $0x1  }
0x15: {  	[smem:$0x3FB4] =	sst s0;
	s0 =	simm.s32 @!p2 $0x0  }
0x16: {  	s3 =	sld [smem:$0x3FDB];
	s0 =	simm.s32 @p2 $0x1  }
0x17: {  	s4 =	simm.s32 $0x1BF5;
	[smem:$0x3FB6] =	sst s0  }
0x18: {  	s0 =	sld [smem:$0x3F99];
	_ =	swait.ge [sflag:s4], $0x0  }
0x19: {  	s7 =	sld [smem:$0x3F9A]  }
0x1a: {  	s8 =	sadd.s32 $0xFFFFE003, lr  }
0x1b: {  	s9 =	sadd.s32 $0xFFFFFEF7, lr;
	s5 =	simm.s32 $0xFFFFFFFF;
	p2 =	slt.u32 s8, $0xFFFFF086  }
0x1c: {  	p1 =	slt.u32 s9, $0xF7A;
	s5 =	simm.s32 @!p2 $0x0  }
0x1d: {  	s5 =	simm.s32 @p1 $0x1;
	p0 =	seq.s32 s7, s2  }
0x1e: {  	s7 =	smul.u32 @!p0 $0xF7A, s2;
	p2 =	seq.s32 @!p0 s5, $0x0  }
0x1f: {  	s9 =	smul.u32 $0xF7A, s1;
	s8 =	simm.s32 @!p0 $0x1BF5;
	p2 =	por !p2, p0  }
0x20: {  	[sflag:s8] =	ssyncset.s32 @!p0 $0xFFFFF086;
	s6 =	sadd.s32 @!p0 s3, s7;
	s7 =	simm.s32 @!p0 $0x108  }
0x21: {  	s3 =	sadd.s32 s3, s9;
	s6 =	sadd.s32 @!p0 $0x88, s6;
	s7 =	simm.s32 @p2 $0x1082  }
0x22: {  	[simem:s7], [sflag:s8] =	dma.local @!p0 [hbm:s6], $0xF7A  }
0x23: {  	s9 =	sor.u32 $0xD0000000, s2;
	s6 =	simm.s32 $0x108;
	_ =	swait.ge @!p0 [sflag:s8], $0x0  }
0x24: {  	s3 =	sadd.s32 $0x88, s3;
	s6 =	simm.s32 @!p1 $0x1082;
	[sflag:s4] =	ssyncset.s32 $0xFFFFF086  }
0x25: {  	[simem:s6], [sflag:s4] =	dma.local [hbm:s3], $0xF7A  }
0x26: {  	[smem:$0x3F9A] =	sst s1;
	(tag) =	ssettag s2;
	_ =	strace s9  }
0x27: {  	s1 =	sld [smem:$0x3FAA]  }
0x28: {  	s2 =	sld [smem:$0x3FAB]  }
0x29: {  	s4 =	sld [smem:$0x3FAD]  }
0x2a: {  	p0 =	seq.s32 s5, $0x0;
	s5 =	sld [smem:$0x3FAE]  }
0x2b: {  	s6 =	sld [smem:$0x3FAF]  }
0x2c: {  	s7 =	sld [smem:$0x3FB0]  }
0x2d: {  	s3 =	simm.s32 $0x108;
	s8 =	sld [smem:$0x3FB1]  }
0x2e: {  	s3 =	simm.s32 @!p0 $0x1082;
	s9 =	sld [smem:$0x3FB2]  }
0x2f: {  	lr =	sadd.s32 s0, s3;
	s0 =	sld [smem:$0x3FA9]  }
0x30: {  	s3 =	sld [smem:$0x3FAC]  }
0x31: {  	[smem:$0x3FB5] =	sst s10  }
0x32: {  	s10 =	sld [smem:$0x3FB3];
	_ =	sdelay $0x3  }
0x33: {  	p0 =	seq.s32 s10, $0x1;
	s10 =	sld [smem:$0x3FB5];
	_ =	sdelay $0x3  }
0x34: {  	[smem:$0x3FB5] =	sst s10  }
0x35: {  	s10 =	sld [smem:$0x3FB4];
	_ =	sdelay $0x3  }
0x36: {  	p1 =	seq.s32 s10, $0x1;
	s10 =	sld [smem:$0x3FB5];
	_ =	sdelay $0x3  }
0x37: {  	[smem:$0x3FB5] =	sst s10  }
0x38: {  	s10 =	sld [smem:$0x3FB6]  }
0x39: {  	_ = 	snop;
	(pc) =	sbr.ind lr, $3  }
0x3a: {  	_ = 	snop  }
0x3b: {  	_ = 	snop  }
0x3c: {  	p2 =	seq.s32 s10, $0x1;
	s10 =	sld [smem:$0x3FB5]  }
0x3d: {  	_ =	shalt  }
0x3e: {  	_ =	shalt  }
0x3f: {  	_ =	shalt  }
0x40: {  	_ =	shalt  }
0x41: {  	_ =	shalt  }
0x42: {  	_ =	shalt  }
0x43: {  	_ =	shalt  }
0x44: {  	_ =	shalt  }
0x45: {  	_ =	shalt  }
0x46: {  	_ =	shalt  }
0x47: {  	_ =	shalt  }
0x48: {  	_ =	shalt  }
0x49: {  	_ =	shalt  }
0x4a: {  	_ =	shalt  }
0x4b: {  	_ =	shalt  }
0x4c: {  	_ =	shalt  }
0x4d: {  	_ =	shalt  }
0x4e: {  	_ =	shalt  }
0x4f: {  	_ =	shalt  }
0x50: {  	_ =	shalt  }
0x51: {  	_ =	shalt  }
0x52: {  	_ =	shalt  }
0x53: {  	_ =	shalt  }
0x54: {  	_ =	shalt  }
0x55: {  	_ =	shalt  }
0x56: {  	_ =	shalt  }
0x57: {  	_ =	shalt  }
0x58: {  	_ =	shalt  }
0x59: {  	_ =	shalt  }
0x5a: {  	_ =	shalt  }
0x5b: {  	_ =	shalt  }
0x5c: {  	_ =	shalt  }
0x5d: {  	_ =	shalt  }
0x5e: {  	_ =	shalt  }
0x5f: {  	_ =	shalt  }
0x60: {  	_ =	shalt  }
0x61: {  	_ =	shalt  }
0x62: {  	_ =	shalt  }
0x63: {  	_ =	shalt  }
0x64: {  	_ =	shalt  }
0x65: {  	_ =	shalt  }
0x66: {  	_ =	shalt  }
0x67: {  	_ =	shalt  }
0x68: {  	_ =	shalt  }
0x69: {  	_ =	shalt  }
0x6a: {  	_ =	shalt  }
0x6b: {  	_ =	shalt  }
0x6c: {  	_ =	shalt  }
0x6d: {  	_ =	shalt  }
0x6e: {  	_ =	shalt  }
0x6f: {  	_ =	shalt  }
0x70: {  	_ =	shalt  }
0x71: {  	_ =	shalt  }
0x72: {  	_ =	shalt  }
0x73: {  	_ =	shalt  }
0x74: {  	_ =	shalt  }
0x75: {  	_ =	shalt  }
0x76: {  	_ =	shalt  }
0x77: {  	_ =	shalt  }
0x78: {  	_ =	shalt  }
0x79: {  	_ =	shalt  }
0x7a: {  	_ =	shalt  }
0x7b: {  	_ =	shalt  }
0x7c: {  	_ =	shalt  }
0x7d: {  	_ =	shalt  }
0x7e: {  	_ =	shalt  }
0x7f: {  	_ =	shalt  }
0x80: {  	_ =	shalt  }
0x81: {  	_ =	shalt  }
0x82: {  	_ =	shalt  }
0x83: {  	_ =	shalt  }
0x84: {  	_ =	shalt  }
0x85: {  	_ =	shalt  }
0x86: {  	_ =	shalt  }
0x87: {  	_ =	shalt  }
.Lfunc_end0:
.L_simem_size_0:
called_computation.1_lowered:
.L_overlay_start_0:
0x88: {  	s2 =	sld [smem:$0x3FD9]  }
0x89: {  	s3 =	sld [smem:$0x3FFE];
	_ =	sdelay $0x1  }
0x8a: {  	s1 =	srdreg.scid  }
0x8b: {  	s0 =	sand.u32 $0x1, s1  }
0x8c: {  	s17 =	sshll.u32 s0, $0xA;
	s2 =	sadd.s32 s3, s2  }
0x8d: {  	s2 =	sadd.s32 s2, s17  }
0x8e: {  	[smem:$0x3FC1] =	sst s2  }
0x8f: {  	_ = 	snop  }
0x90: {  	s18 =	sld [smem:$0x3FD0];
	(tm) =	ssettm $0x1  }
0x91: {  	s19 =	sld [smem:$0x3FFB];
	_ =	sdelay $0x3  }
0x92: {  	_ =	strace s19  }
0x93: {  	s2 =	sld [smem:$0x3FFC];
	_ =	sdelay $0x3  }
0x94: {  	_ =	strace s2  }
0x95: {  	s2 =	sld [smem:$0x3FFD];
	_ =	sdelay $0x3  }
0x96: {  	_ =	strace s2  }
0x97: {  	_ =	strace $0x8FFFFFFF  }
0x98: {  	s20 =	sld [smem:$0x3FDB];
	_ =	sdelay $0x1  }
0x99: {  	s4 =	simm.s32 $_scs_section_size  }
0x9a: {  	s5 =	simm.s32 $_size__tile_overlayer_lowered;
	s6 =	simm.s32 $_tile_overlayer_lowered  }
0x9b: {  	s7 =	simm.s32 $0x1BFF;
	s21 =	sshll.u32 s6, $0x1;
	s4 =	sadd.s32 s4, s20  }
0x9c: {  	s22 =	simm.s32 $0x0;
	s5 =	sshll.u32 s5, $0x1;
	s6 =	sadd.s32 s21, s4  }
0x9d: {  	[timem:s22], [sflag:s7] =	dma.local [hbm:s6], s5  }
0x9e: {  	_ =	swait.ge [sflag:s7], s5  }
0x9f: {  	s5 =	ssub.s32 $0x0, s5;
	[sflag:s7] =	ssyncset.done $0x0  }
0xa0: {  	[sflag:s7] =	ssyncadd.s32 s5;
	_ =	sdelay $0x1  }
0xa1: {  	s23 =	simm.s32 $0x1B8B  }
0xa2: {  	_ =	swait.ge [sflag:s23], $0x1  }
0xa3: {  	[sflag:s23] =	ssyncset.done $0x0  }
0xa4: {  	[sflag:s23] =	ssyncadd.s32 $0xFFFFFFFF  }
0xa5: {  	s5 =	sld [smem:$0x0]  }
0xa6: {  	s6 =	sand.u32 $0xFFFFFFFE, s1  }
0xa7: {  	p0 =	sne.s32 s1, s6  }
0xa8: {  	s6 =	sshll.u32 @p0 s6, $0xE  }
0xa9: {  	s6 =	sadd.s32 @p0 $0x11B8D, s6;
	s7 =	sshll.u32 @p0 s5, $0x11  }
0xaa: {  	s6 =	sor.u32 @p0 s7, s6  }
0xab: {  	[sflag:s6] =	ssyncadd.remote.s32 @p0 $0x1;
	_ =	sdelay $0x1  }
0xac: {  	s6 =	simm.s32 @p0 $0x1B8D  }
0xad: {  	_ =	swait.eq @p0 [sflag:s6], $0x1  }
0xae: {  	[sflag:s6] =	ssyncadd.s32 @p0 $0xFFFFFFFF  }
0xaf: {  	s7 =	sshll.u32 @!p0 s1, $0xE  }
0xb0: {  	s7 =	sor.u32 @!p0 $0x4000, s7;
	s6 =	simm.s32 @!p0 $0x1B8D  }
0xb1: {  	s5 =	sshll.u32 @!p0 s5, $0x11;
	s7 =	sadd.s32 @!p0 $0x11B8D, s7;
	_ =	swait.eq @!p0 [sflag:s6], $0x1  }
0xb2: {  	s5 =	sor.u32 @!p0 s5, s7;
	[sflag:s6] =	ssyncadd.s32 @!p0 $0xFFFFFFFF  }
0xb3: {  	s25 =	simm.s32 $0x1B8E;
	s24 =	sld [smem:$0x3FFE];
	[sflag:s5] =	ssyncadd.remote.s32 @!p0 $0x1  }
0xb4: {  	s26 =	simm.s32 $execute0_lowered;
	[smem:$0x3FD2] =	sst s25  }
0xb5: {  	s6 =	sshll.u32 s26, $0x1;
	_ =	strace $0x80000049;
	[dreg:$0x1] =	wrdreg $0xFFFFFFFF  }
0xb6: {  	s28 =	simm.s32 $_size_execute0_lowered;
	s4 =	sadd.s32 s4, s6;
	[dreg:$0x0] =	wrdreg $0x0  }
0xb7: {  	s6 =	sshll.u32 s28, $0x1;
	[dreg:$0x2] =	wrdreg s4  }
0xb8: {  	[dreg:$0x3] =	wrdreg s6  }
0xb9: {  	[dreg:$0x4] =	wrdreg $0xC0  }
0xba: {  	_ =	task [dreg:s22], $0x5FFFF  }
0xbb: {  	[dreg:$0x1] =	wrdreg $0xFFFFFFFF  }
0xbc: {  	[dreg:$0x0] =	wrdreg $0x60  }
0xbd: {  	[dreg:$0x2] =	wrdreg s18  }
0xbe: {  	[dreg:$0x3] =	wrdreg s24  }
0xbf: {  	[dreg:$0x4] =	wrdreg $0xA  }
0xc0: {  	_ =	task.clear_ibuf [dreg:s22], $0x5FFFF;
	_ =	strace $0x90000049  }
0xc1: {  	s29 =	simm.s32 $0xA;
	_ =	strace $0x8000004B  }
0xc2: {  	_ =	swait.ge [sflag:s29], $0x1  }
0xc3: {  	[sflag:s29] =	ssyncadd.s32 $0xFFFFFFFF  }
0xc4: {  	_ =	strace $0x9000004B  }
0xc5: {  	_ =	sfence  }
0xc6: {  	s30 =	sld [smem:$0x0];
	_ =	sdelay $0x2  }
0xc7: {  	s31 =	sshll.u32 s1, $0xD;
	s1 =	sshrl.u32 s1, $0x2  }
0xc8: {  	s4 =	sand.u32 $0x4000, s31;
	s1 =	sadd.s32 s1, s30  }
0xc9: {  	s0 =	sor.u32 s4, s0;
	s1 =	sshll.u32 s1, $0x11  }
0xca: {  	s0 =	sor.u32 s1, s0  }
0xcb: {  	s0 =	sadd.s32 $0x8F2B, s0  }
0xcc: {  	[sflag:s0] =	ssyncadd.remote.s32 $0x1  }
0xcd: {  	_ =	sfence.sel $0xFFFF  }
0xce: {  	[dreg:$0x0] =	wrdreg $0xFFFFFFFF;
	(pc) =	sbr.abs _section_cstart, $3  }
0xcf: {  	[dreg:$0x1] =	wrdreg $0xFFFFFFFF  }
0xd0: {  	_ =	task.clear_ibuf [dreg:s22], $0x2FFFF;
	_ =	strace $0x9FFFFFFF  }
0xd1: {  	(tm) =	ssettm $0x7FFFFFFF  }
tec
execute0_lowered:
.L_overlay_start_1:
0x0: {  	(tag) =	ssettag $0x1  }
0x1: {  	s4 =	rddreg [dreg:$0x0]  }
0x2: {  	s2 =	rddreg [dreg:$0x1]  }
0x3: {  	s1 =	simm.s32 $0x0;
	s3 =	srdreg.scid;
	s0 =	stileid.u32  }
0x4: {  	s10 =	simm.s32 $0x0;
	[smem:$0x7FF] =	sst s1;
	s5 =	sand.u32 $0x1, s3  }
0x5: {  	s3 =	sadd.s32 $0x802400, s2;
	s9 =	sshll.u32 s0, $0x7;
	s31 =	sshll.u32 s0, $0xE  }
0x6: {  	s6 =	sshll.u32 s5, $0xD;
	s7 =	ssub.s32 $0x2, s5;
	s5 =	sshll.u32 s5, $0x6  }
0x7: {  	_ =	strace $0x8000004A;
	s8 =	sshrl.u32 s7, $0x1;
	s4 =	sadd.s32 s4, s5  }
0x8: {  	s6 =	sadd.s32 s6, s2;
	s7 =	ssub.s32 s7, s8;
	s4 =	sadd.s32 s9, s4  }
0x9: {  	s5 =	sadd.s32 s31, s6;
	s8 =	simm.s32 $0x1;
	s9 =	simm.s32 $0x200  }
0xa: {  	s5 =	sadd.s32 $0xFC2400, s5;
	s6 =	smax.u32 s7, $0x1;
	s7 =	simm.s32 $0x2  }
.LBB2_1:
0xb: {  	[tilespmem:s1], [sflag:$0x2] =	stream.linear.gather [hbm4b:s4+s1], $0x200, $0x38;
	[tilespmem:$0x10200] =	vst v63  }
0xc: {  	_ =	swait.ge [sflag:s7], $0x200  }
0xd: {  	[sflag:s7] =	ssyncset.done $0x0  }
0xe: {  	s11 =	sand.u32 $0x1F0, s1;
	[sflag:s7] =	ssyncadd.s32 $0xFFFFFE00  }
0xf: {  	v0 =	vld [tilespmem:s11+$0x0];
	_ =	sdelay $0x4  }
0x10: {  	v1 =	vshrl.u32 v0, $0x1  }
0x11: {  	v0 =	vand.u32 $0x1FFF, v0;
	v1 =	vand.u32 $0xFFFFE000, v1  }
0x12: {  	v0 =	vor.u32 v0, v1  }
0x13: {  	v0 =	vshll.u32 v0, $0x4  }
0x14: {  	(v2sf) =	vpush v0, $0x0  }
0x15: {  	(v2sf) =	vpush v0, $0x1  }
0x16: {  	(v2sf) =	vpush v0, $0x2;
	_ =	sdelay $0x1  }
0x17: {  	(v2sf) =	vpush v0, $0x3;
	_ =	sdelay $0x1  }
0x18: {  	(v2sf) =	vpush v0, $0x4;
	_ =	sdelay $0x1  }
0x19: {  	(v2sf) =	vpush v0, $0x5;
	_ =	sdelay $0x1  }
0x1a: {  	(v2sf) =	vpush v0, $0x6  }
0x1b: {  	s13 =	simm.s32 $0x280;
	s14 =	simm.s32 $0x380  }
0x1c: {  	s15 =	simm.s32 $0x400;
	s16 =	simm.s32 $0x200;
	s17 =	simm.s32 $0x300;
	(v2sf) =	vpush v0, $0x7  }
0x1d: {  	s18 =	simm.s32 $0x480;
	s12 =	simm.s32 $0x800;
	s19 =	simm.s32 $0x680  }
0x1e: {  	s20 =	simm.s32 $0x700;
	s21 =	simm.s32 $0x780;
	s22 =	simm.s32 $0x500;
	(v2sf) =	vpush v0, $0x8  }
0x1f: {  	s23 =	simm.s32 $0x600;
	s25 =	simm.s32 $0x580;
	s24 =	spop (v2sf)  }
0x20: {  	s11 =	simm.s32 $0x880;
	(v2sf) =	vpush v0, $0x9;
	s24 =	sand.u32 $0x1FFFFFF0, s24;
	s26 =	spop (v2sf)  }
0x21: {  	s24 =	sadd.s32 s3, s24;
	s26 =	sand.u32 $0x1FFFFFF0, s26;
	s28 =	spop (v2sf)  }
0x22: {  	(v2sf) =	vpush v0, $0xA;
	[tilespmem:s16], [sflag:$0x1] =	stream.linear.gather [hbm4b:s24+s1], $0x80, $0x38;
	[tilespmem:$0x10200] =	vst v63  }
0x23: {  	s26 =	sadd.s32 s3, s26;
	s29 =	sand.u32 $0x1FFFFFF0, s28;
	s30 =	spop (v2sf)  }
0x24: {  	(v2sf) =	vpush v0, $0xB;
	[tilespmem:s13], [sflag:$0x1] =	stream.linear.gather [hbm4b:s26+s1], $0x80, $0x38;
	[tilespmem:$0x10200] =	vst v63  }
0x25: {  	s31 =	sadd.s32 s3, s29;
	s0 =	sand.u32 $0x1FFFFFF0, s30;
	s2 =	spop (v2sf)  }
0x26: {  	(v2sf) =	vpush v0, $0xC;
	[tilespmem:s17], [sflag:$0x1] =	stream.linear.gather [hbm4b:s31+s1], $0x80, $0x38;
	[tilespmem:$0x10200] =	vst v63  }
0x27: {  	s24 =	sand.u32 $0x1FFFFFF0, s2;
	s26 =	spop (v2sf);
	s17 =	sadd.s32 s3, s0  }
0x28: {  	(v2sf) =	vpush v0, $0xD;
	[tilespmem:s14], [sflag:$0x1] =	stream.linear.gather [hbm4b:s17+s1], $0x80, $0x38;
	[tilespmem:$0x10200] =	vst v63  }
0x29: {  	s28 =	sadd.s32 s3, s24;
	s29 =	sand.u32 $0x1FFFFFF0, s26;
	s30 =	spop (v2sf)  }
0x2a: {  	(v2sf) =	vpush v0, $0xE;
	[tilespmem:s15], [sflag:$0x1] =	stream.linear.gather [hbm4b:s28+s1], $0x80, $0x38;
	[tilespmem:$0x10200] =	vst v63  }
0x2b: {  	s31 =	sadd.s32 s3, s29;
	s0 =	sand.u32 $0x1FFFFFF0, s30;
	s2 =	spop (v2sf)  }
0x2c: {  	(v2sf) =	vpush v0, $0xF;
	[tilespmem:s18], [sflag:$0x1] =	stream.linear.gather [hbm4b:s31+s1], $0x80, $0x38;
	[tilespmem:$0x10200] =	vst v63  }
0x2d: {  	s16 =	sadd.s32 s3, s0;
	s17 =	sand.u32 $0x1FFFFFF0, s2;
	s18 =	spop (v2sf)  }
0x2e: {  	[tilespmem:s22], [sflag:$0x1] =	stream.linear.gather [hbm4b:s16+s1], $0x80, $0x38;
	[tilespmem:$0x10200] =	vst v63  }
0x2f: {  	s24 =	sand.u32 $0x1FFFFFF0, s18;
	s22 =	sadd.s32 s3, s17;
	s26 =	spop (v2sf)  }
0x30: {  	[tilespmem:s25], [sflag:$0x1] =	stream.linear.gather [hbm4b:s22+s1], $0x80, $0x38;
	[tilespmem:$0x10200] =	vst v63  }
0x31: {  	s28 =	sadd.s32 s3, s24;
	s29 =	sand.u32 $0x1FFFFFF0, s26;
	s30 =	spop (v2sf)  }
0x32: {  	[tilespmem:s23], [sflag:$0x1] =	stream.linear.gather [hbm4b:s28+s1], $0x80, $0x38;
	[tilespmem:$0x10200] =	vst v63  }
0x33: {  	s31 =	sadd.s32 s3, s29;
	s0 =	sand.u32 $0x1FFFFFF0, s30;
	s2 =	spop (v2sf)  }
0x34: {  	[tilespmem:s19], [sflag:$0x1] =	stream.linear.gather [hbm4b:s31+s1], $0x80, $0x38;
	[tilespmem:$0x10200] =	vst v63  }
0x35: {  	s14 =	sadd.s32 s3, s0;
	s15 =	sand.u32 $0x1FFFFFF0, s2;
	s16 =	spop (v2sf)  }
0x36: {  	[tilespmem:s20], [sflag:$0x1] =	stream.linear.gather [hbm4b:s14+s1], $0x80, $0x38;
	[tilespmem:$0x10200] =	vst v63  }
0x37: {  	s17 =	sadd.s32 s3, s15;
	s18 =	sand.u32 $0x1FFFFFF0, s16;
	s19 =	spop (v2sf)  }
0x38: {  	[tilespmem:s21], [sflag:$0x1] =	stream.linear.gather [hbm4b:s17+s1], $0x80, $0x38;
	[tilespmem:$0x10200] =	vst v63  }
0x39: {  	s22 =	spop (v2sf);
	s20 =	sadd.s32 s3, s18;
	s21 =	sand.u32 $0x1FFFFFF0, s19  }
0x3a: {  	[tilespmem:s12], [sflag:$0x1] =	stream.linear.gather [hbm4b:s20+s1], $0x80, $0x38;
	[tilespmem:$0x10200] =	vst v63  }
0x3b: {  	s24 =	sand.u32 $0x1FFFFFF0, s22;
	s25 =	spop (v2sf);
	s23 =	sadd.s32 s3, s21  }
0x3c: {  	[tilespmem:s11], [sflag:$0x1] =	stream.linear.gather [hbm4b:s23+s1], $0x80, $0x38;
	[tilespmem:$0x10200] =	vst v63  }
0x3d: {  	s26 =	simm.s32 $0x900;
	s28 =	sadd.s32 s3, s24;
	s29 =	sand.u32 $0x1FFFFFF0, s25  }
0x3e: {  	[tilespmem:s26], [sflag:$0x1] =	stream.linear.gather [hbm4b:s28+s1], $0x80, $0x38;
	[tilespmem:$0x10200] =	vst v63  }
0x3f: {  	s30 =	simm.s32 $0x980;
	s31 =	sadd.s32 s3, s29  }
0x40: {  	[tilespmem:s30], [sflag:$0x1] =	stream.linear.gather [hbm4b:s31+s1], $0x80, $0x38;
	[tilespmem:$0x10200] =	vst v63  }
0x41: {  	_ =	swait.ge [sflag:s8], $0x80  }
0x42: {  	[sflag:s8] =	ssyncset.done $0x0  }
0x43: {  	[sflag:s8] =	ssyncadd.s32 $0xFFFFFF80  }
0x44: {  	_ =	swait.ge [sflag:s8], $0x80  }
0x45: {  	[sflag:s8] =	ssyncset.done $0x0  }
0x46: {  	[sflag:s8] =	ssyncadd.s32 $0xFFFFFF80  }
0x47: {  	_ =	swait.ge [sflag:s8], $0x80  }
0x48: {  	[sflag:s8] =	ssyncset.done $0x0  }
0x49: {  	[sflag:s8] =	ssyncadd.s32 $0xFFFFFF80  }
0x4a: {  	_ =	swait.ge [sflag:s8], $0x80  }
0x4b: {  	[sflag:s8] =	ssyncset.done $0x0  }
0x4c: {  	[sflag:s8] =	ssyncadd.s32 $0xFFFFFF80  }
0x4d: {  	_ =	swait.ge [sflag:s8], $0x80  }
0x4e: {  	[sflag:s8] =	ssyncset.done $0x0  }
0x4f: {  	[sflag:s8] =	ssyncadd.s32 $0xFFFFFF80  }
0x50: {  	_ =	swait.ge [sflag:s8], $0x80  }
0x51: {  	[sflag:s8] =	ssyncset.done $0x0  }
0x52: {  	[sflag:s8] =	ssyncadd.s32 $0xFFFFFF80  }
0x53: {  	_ =	swait.ge [sflag:s8], $0x80  }
0x54: {  	[sflag:s8] =	ssyncset.done $0x0  }
0x55: {  	[sflag:s8] =	ssyncadd.s32 $0xFFFFFF80  }
0x56: {  	_ =	swait.ge [sflag:s8], $0x80  }
0x57: {  	[sflag:s8] =	ssyncset.done $0x0  }
0x58: {  	[sflag:s8] =	ssyncadd.s32 $0xFFFFFF80  }
0x59: {  	_ =	swait.ge [sflag:s8], $0x80  }
0x5a: {  	[sflag:s8] =	ssyncset.done $0x0  }
0x5b: {  	[sflag:s8] =	ssyncadd.s32 $0xFFFFFF80  }
0x5c: {  	_ =	swait.ge [sflag:s8], $0x80  }
0x5d: {  	[sflag:s8] =	ssyncset.done $0x0  }
0x5e: {  	[sflag:s8] =	ssyncadd.s32 $0xFFFFFF80  }
0x5f: {  	_ =	swait.ge [sflag:s8], $0x80  }
0x60: {  	[sflag:s8] =	ssyncset.done $0x0  }
0x61: {  	[sflag:s8] =	ssyncadd.s32 $0xFFFFFF80  }
0x62: {  	_ =	swait.ge [sflag:s8], $0x80  }
0x63: {  	[sflag:s8] =	ssyncset.done $0x0  }
0x64: {  	[sflag:s8] =	ssyncadd.s32 $0xFFFFFF80  }
0x65: {  	_ =	swait.ge [sflag:s8], $0x80  }
0x66: {  	[sflag:s8] =	ssyncset.done $0x0  }
0x67: {  	[sflag:s8] =	ssyncadd.s32 $0xFFFFFF80  }
0x68: {  	s13 =	simm.s32 $0x4000;
	_ =	swait.ge [sflag:s8], $0x80  }
0x69: {  	s12 =	simm.s32 $0x10;
	s11 =	simm.s32 $0x2000;
	[sflag:s8] =	ssyncset.done $0x0  }
.LBB2_2:
0x6a: {  	p0 =	sne.s32 s13, $0x3E000;
	s14 =	sand.u32 $0x1F0, s12;
	[sflag:s8] =	ssyncadd.s32 $0xFFFFFF80  }
0x6b: {  	s15 =	smov.u32 s13;
	s13 =	sadd.s32 $0x2000, s13;
	_ =	swait.ge [sflag:s8], $0x80  }
0x6c: {  	[sflag:s8] =	ssyncset.done $0x0  }
0x6d: {  	[sflag:s8] =	ssyncadd.s32 $0xFFFFFF80  }
0x6e: {  	_ =	swait.ge [sflag:s8], $0x80  }
0x6f: {  	[sflag:s8] =	ssyncset.done $0x0  }
0x70: {  	[sflag:s8] =	ssyncadd.s32 $0xFFFFFF80  }
0x71: {  	v0 =	vld [tilespmem:s14+$0x0];
	_ =	sdelay $0x4  }
0x72: {  	v1 =	vshrl.u32 v0, $0x1  }
0x73: {  	v0 =	vand.u32 $0x1FFF, v0;
	v1 =	vand.u32 $0xFFFFE000, v1  }
0x74: {  	v0 =	vor.u32 v0, v1  }
0x75: {  	v0 =	vshll.u32 v0, $0x4  }
0x76: {  	(v2sf) =	vpush v0, $0x0  }
0x77: {  	(v2sf) =	vpush v0, $0x1  }
0x78: {  	(v2sf) =	vpush v0, $0x2;
	_ =	sdelay $0x1  }
0x79: {  	(v2sf) =	vpush v0, $0x3;
	_ =	sdelay $0x1  }
0x7a: {  	(v2sf) =	vpush v0, $0x4;
	_ =	sdelay $0x1  }
0x7b: {  	(v2sf) =	vpush v0, $0x5;
	_ =	sdelay $0x1  }
0x7c: {  	s14 =	sshra.s32 s11, $0x2;
	s11 =	smov.u32 s15;
	(v2sf) =	vpush v0, $0x6  }
0x7d: {  	s22 =	sadd.s32 $0x280, s14;
	s23 =	sadd.s32 $0x380, s14;
	s24 =	sadd.s32 $0x400, s14  }
0x7e: {  	s25 =	sadd.s32 $0x200, s14;
	s26 =	sadd.s32 $0x300, s14;
	s15 =	sadd.s32 $0x980, s14;
	(v2sf) =	vpush v0, $0x7  }
0x7f: {  	s28 =	sadd.s32 $0x480, s14;
	s17 =	sadd.s32 $0x800, s14;
	s16 =	sadd.s32 $0x880, s14  }
0x80: {  	s20 =	sadd.s32 $0x680, s14;
	s19 =	sadd.s32 $0x700, s14;
	s18 =	sadd.s32 $0x780, s14;
	(v2sf) =	vpush v0, $0x8  }
0x81: {  	s29 =	sadd.s32 $0x500, s14;
	s21 =	sadd.s32 $0x600, s14;
	s30 =	spop (v2sf)  }
0x82: {  	s31 =	sadd.s32 $0x580, s14;
	s30 =	sand.u32 $0x1FFFFFF0, s30;
	s0 =	spop (v2sf);
	(v2sf) =	vpush v0, $0x9  }
0x83: {  	s30 =	sadd.s32 s3, s30;
	s0 =	sand.u32 $0x1FFFFFF0, s0;
	s2 =	spop (v2sf)  }
0x84: {  	[tilespmem:s25], [sflag:$0x1] =	stream.linear.gather [hbm4b:s30+s1], $0x80, $0x38;
	(v2sf) =	vpush v0, $0xA;
	[tilespmem:$0x10200] =	vst v63  }
0x85: {  	s0 =	sadd.s32 s3, s0;
	s2 =	sand.u32 $0x1FFFFFF0, s2;
	s25 =	spop (v2sf)  }
0x86: {  	[tilespmem:s22], [sflag:$0x1] =	stream.linear.gather [hbm4b:s0+s1], $0x80, $0x38;
	(v2sf) =	vpush v0, $0xB;
	[tilespmem:$0x10200] =	vst v63  }
0x87: {  	s0 =	sadd.s32 s3, s2;
	s2 =	sand.u32 $0x1FFFFFF0, s25;
	s22 =	spop (v2sf)  }
0x88: {  	[tilespmem:s26], [sflag:$0x1] =	stream.linear.gather [hbm4b:s0+s1], $0x80, $0x38;
	(v2sf) =	vpush v0, $0xC;
	[tilespmem:$0x10200] =	vst v63  }
0x89: {  	s0 =	sadd.s32 s3, s2;
	s2 =	sand.u32 $0x1FFFFFF0, s22;
	s22 =	spop (v2sf)  }
0x8a: {  	[tilespmem:s23], [sflag:$0x1] =	stream.linear.gather [hbm4b:s0+s1], $0x80, $0x38;
	(v2sf) =	vpush v0, $0xD;
	[tilespmem:$0x10200] =	vst v63  }
0x8b: {  	s0 =	sadd.s32 s3, s2;
	s2 =	sand.u32 $0x1FFFFFF0, s22;
	s22 =	spop (v2sf)  }
0x8c: {  	[tilespmem:s24], [sflag:$0x1] =	stream.linear.gather [hbm4b:s0+s1], $0x80, $0x38;
	(v2sf) =	vpush v0, $0xE;
	[tilespmem:$0x10200] =	vst v63  }
0x8d: {  	s0 =	sadd.s32 s3, s2;
	s2 =	sand.u32 $0x1FFFFFF0, s22;
	s22 =	spop (v2sf)  }
0x8e: {  	[tilespmem:s28], [sflag:$0x1] =	stream.linear.gather [hbm4b:s0+s1], $0x80, $0x38;
	(v2sf) =	vpush v0, $0xF;
	[tilespmem:$0x10200] =	vst v63  }
0x8f: {  	s0 =	sadd.s32 s3, s2;
	s2 =	sand.u32 $0x1FFFFFF0, s22;
	s22 =	spop (v2sf)  }
0x90: {  	[tilespmem:s29], [sflag:$0x1] =	stream.linear.gather [hbm4b:s0+s1], $0x80, $0x38;
	[tilespmem:$0x10200] =	vst v63  }
0x91: {  	s0 =	sadd.s32 s3, s2;
	s2 =	sand.u32 $0x1FFFFFF0, s22;
	s22 =	spop (v2sf)  }
0x92: {  	[tilespmem:s31], [sflag:$0x1] =	stream.linear.gather [hbm4b:s0+s1], $0x80, $0x38;
	[tilespmem:$0x10200] =	vst v63  }
0x93: {  	s0 =	sadd.s32 s3, s2;
	s2 =	sand.u32 $0x1FFFFFF0, s22;
	s22 =	spop (v2sf)  }
0x94: {  	[tilespmem:s21], [sflag:$0x1] =	stream.linear.gather [hbm4b:s0+s1], $0x80, $0x38;
	[tilespmem:$0x10200] =	vst v63  }
0x95: {  	s0 =	sadd.s32 s3, s2;
	s2 =	sand.u32 $0x1FFFFFF0, s22;
	s21 =	spop (v2sf)  }
0x96: {  	[tilespmem:s20], [sflag:$0x1] =	stream.linear.gather [hbm4b:s0+s1], $0x80, $0x38;
	[tilespmem:$0x10200] =	vst v63  }
0x97: {  	s0 =	sadd.s32 s3, s2;
	s2 =	sand.u32 $0x1FFFFFF0, s21;
	s20 =	spop (v2sf)  }
0x98: {  	[tilespmem:s19], [sflag:$0x1] =	stream.linear.gather [hbm4b:s0+s1], $0x80, $0x38;
	[tilespmem:$0x10200] =	vst v63  }
0x99: {  	s0 =	sadd.s32 s3, s2;
	s2 =	sand.u32 $0x1FFFFFF0, s20;
	s19 =	spop (v2sf)  }
0x9a: {  	[tilespmem:s18], [sflag:$0x1] =	stream.linear.gather [hbm4b:s0+s1], $0x80, $0x38;
	[tilespmem:$0x10200] =	vst v63  }
0x9b: {  	s0 =	sadd.s32 s3, s2;
	s2 =	sand.u32 $0x1FFFFFF0, s19;
	s18 =	spop (v2sf)  }
0x9c: {  	[tilespmem:s17], [sflag:$0x1] =	stream.linear.gather [hbm4b:s0+s1], $0x80, $0x38;
	[tilespmem:$0x10200] =	vst v63  }
0x9d: {  	s0 =	sadd.s32 s3, s2;
	s2 =	sand.u32 $0x1FFFFFF0, s18;
	s17 =	spop (v2sf)  }
0x9e: {  	[tilespmem:s16], [sflag:$0x1] =	stream.linear.gather [hbm4b:s0+s1], $0x80, $0x38;
	[tilespmem:$0x10200] =	vst v63  }
0x9f: {  	s2 =	sadd.s32 s3, s2;
	s0 =	sadd.s32 $0x900, s14;
	s14 =	sand.u32 $0x1FFFFFF0, s17  }
0xa0: {  	[tilespmem:s0], [sflag:$0x1] =	stream.linear.gather [hbm4b:s2+s1], $0x80, $0x38;
	[tilespmem:$0x10200] =	vst v63  }
0xa1: {  	s0 =	sadd.s32 s3, s14  }
0xa2: {  	[tilespmem:s15], [sflag:$0x1] =	stream.linear.gather [hbm4b:s0+s1], $0x80, $0x38;
	[tilespmem:$0x10200] =	vst v63  }
0xa3: {  	_ =	swait.ge [sflag:s8], $0x80  }
0xa4: {  	[sflag:s8] =	ssyncset.done $0x0  }
0xa5: {  	[sflag:s8] =	ssyncadd.s32 $0xFFFFFF80  }
0xa6: {  	_ =	swait.ge [sflag:s8], $0x80  }
0xa7: {  	[sflag:s8] =	ssyncset.done $0x0  }
0xa8: {  	[sflag:s8] =	ssyncadd.s32 $0xFFFFFF80  }
0xa9: {  	_ =	swait.ge [sflag:s8], $0x80  }
0xaa: {  	[sflag:s8] =	ssyncset.done $0x0  }
0xab: {  	[sflag:s8] =	ssyncadd.s32 $0xFFFFFF80  }
0xac: {  	_ =	swait.ge [sflag:s8], $0x80  }
0xad: {  	[sflag:s8] =	ssyncset.done $0x0  }
0xae: {  	[sflag:s8] =	ssyncadd.s32 $0xFFFFFF80  }
0xaf: {  	_ =	swait.ge [sflag:s8], $0x80  }
0xb0: {  	[sflag:s8] =	ssyncset.done $0x0  }
0xb1: {  	[sflag:s8] =	ssyncadd.s32 $0xFFFFFF80  }
0xb2: {  	_ =	swait.ge [sflag:s8], $0x80  }
0xb3: {  	[sflag:s8] =	ssyncset.done $0x0  }
0xb4: {  	[sflag:s8] =	ssyncadd.s32 $0xFFFFFF80  }
0xb5: {  	_ =	swait.ge [sflag:s8], $0x80  }
0xb6: {  	[sflag:s8] =	ssyncset.done $0x0  }
0xb7: {  	[sflag:s8] =	ssyncadd.s32 $0xFFFFFF80  }
0xb8: {  	_ =	swait.ge [sflag:s8], $0x80  }
0xb9: {  	[sflag:s8] =	ssyncset.done $0x0  }
0xba: {  	[sflag:s8] =	ssyncadd.s32 $0xFFFFFF80  }
0xbb: {  	_ =	swait.ge [sflag:s8], $0x80  }
0xbc: {  	[sflag:s8] =	ssyncset.done $0x0  }
0xbd: {  	[sflag:s8] =	ssyncadd.s32 $0xFFFFFF80  }
0xbe: {  	_ =	swait.ge [sflag:s8], $0x80  }
0xbf: {  	[sflag:s8] =	ssyncset.done $0x0  }
0xc0: {  	[sflag:s8] =	ssyncadd.s32 $0xFFFFFF80  }
0xc1: {  	_ =	swait.ge [sflag:s8], $0x80  }
0xc2: {  	[sflag:s8] =	ssyncset.done $0x0  }
0xc3: {  	[sflag:s8] =	ssyncadd.s32 $0xFFFFFF80  }
0xc4: {  	_ =	swait.ge [sflag:s8], $0x80  }
0xc5: {  	[sflag:s8] =	ssyncset.done $0x0  }
0xc6: {  	[sflag:s8] =	ssyncadd.s32 $0xFFFFFF80  }
.Ltmp0:
0xc7: {  	_ =	swait.ge [sflag:s8], $0x80;
	(pc) =	sbr.rel @p0 .LBB2_2-.Ltmp0, $4  }
0xc8: {  	[sflag:s8] =	ssyncset.done $0x0  }
0xc9: {  	[sflag:s8] =	ssyncadd.s32 $0xFFFFFF80  }
0xca: {  	_ =	swait.ge [sflag:s8], $0x80  }
0xcb: {  	s12 =	sadd.s32 $0x10, s12;
	[sflag:s8] =	ssyncset.done $0x0  }
0xcc: {  	[sflag:s8] =	ssyncadd.s32 $0xFFFFFF80  }
0xcd: {  	_ =	swait.ge [sflag:s8], $0x80  }
0xce: {  	[sflag:s8] =	ssyncset.done $0x0  }
0xcf: {  	[sflag:s8] =	ssyncadd.s32 $0xFFFFFF80  }
0xd0: {  	_ =	swait.ge [sflag:s8], $0x80  }
0xd1: {  	[sflag:s8] =	ssyncset.done $0x0  }
0xd2: {  	s0 =	sand.u32 $0x1F0, s12;
	[sflag:s8] =	ssyncadd.s32 $0xFFFFFF80  }
0xd3: {  	v0 =	vld [tilespmem:s0+$0x0];
	_ =	sdelay $0x4  }
0xd4: {  	v1 =	vshrl.u32 v0, $0x1  }
0xd5: {  	v0 =	vand.u32 $0x1FFF, v0;
	v1 =	vand.u32 $0xFFFFE000, v1  }
0xd6: {  	v0 =	vor.u32 v0, v1  }
0xd7: {  	v0 =	vshll.u32 v0, $0x4  }
0xd8: {  	(v2sf) =	vpush v0, $0x0;
	_ =	sdelay $0x1  }
0xd9: {  	(v2sf) =	vpush v0, $0x1;
	_ =	sdelay $0x1  }
0xda: {  	(v2sf) =	vpush v0, $0x2;
	_ =	sdelay $0x2  }
0xdb: {  	(v2sf) =	vpush v0, $0x3;
	_ =	sdelay $0x7  }
0xdc: {  	s20 =	spop (v2sf);
	(v2sf) =	vpush v0, $0x4;
	_ =	sdelay $0x1  }
0xdd: {  	s21 =	spop (v2sf);
	(v2sf) =	vpush v0, $0x5;
	_ =	sdelay $0x1  }
0xde: {  	s23 =	spop (v2sf);
	(v2sf) =	vpush v0, $0x6;
	_ =	sdelay $0x1  }
0xdf: {  	s11 =	sshra.s32 s11, $0x2;
	s0 =	sand.u32 $0x1FFFFFF0, s20  }
0xe0: {  	s2 =	sadd.s32 $0x200, s11;
	s0 =	sadd.s32 s3, s0;
	s25 =	spop (v2sf);
	(v2sf) =	vpush v0, $0x7  }
0xe1: {  	[tilespmem:s2], [sflag:$0x1] =	stream.linear.gather [hbm4b:s0+s1], $0x80, $0x38;
	[tilespmem:$0x10200] =	vst v63  }
0xe2: {  	s0 =	sand.u32 $0x1FFFFFF0, s21  }
0xe3: {  	s22 =	sadd.s32 $0x280, s11;
	s0 =	sadd.s32 s3, s0  }
0xe4: {  	[tilespmem:s22], [sflag:$0x1] =	stream.linear.gather [hbm4b:s0+s1], $0x80, $0x38;
	[tilespmem:$0x10200] =	vst v63  }
0xe5: {  	s0 =	sand.u32 $0x1FFFFFF0, s23  }
0xe6: {  	s24 =	sadd.s32 $0x300, s11;
	s0 =	sadd.s32 s3, s0  }
0xe7: {  	[tilespmem:s24], [sflag:$0x1] =	stream.linear.gather [hbm4b:s0+s1], $0x80, $0x38;
	[tilespmem:$0x10200] =	vst v63  }
0xe8: {  	s28 =	spop (v2sf);
	(v2sf) =	vpush v0, $0x8  }
0xe9: {  	s0 =	sand.u32 $0x1FFFFFF0, s25  }
0xea: {  	s26 =	sadd.s32 $0x380, s11;
	s0 =	sadd.s32 s3, s0;
	s30 =	spop (v2sf);
	(v2sf) =	vpush v0, $0x9  }
0xeb: {  	[tilespmem:s26], [sflag:$0x1] =	stream.linear.gather [hbm4b:s0+s1], $0x80, $0x38;
	[tilespmem:$0x10200] =	vst v63  }
0xec: {  	s0 =	sand.u32 $0x1FFFFFF0, s28;
	s2 =	spop (v2sf);
	(v2sf) =	vpush v0, $0xA  }
0xed: {  	s29 =	sadd.s32 $0x400, s11;
	s0 =	sadd.s32 s3, s0  }
0xee: {  	[tilespmem:s29], [sflag:$0x1] =	stream.linear.gather [hbm4b:s0+s1], $0x80, $0x38;
	[tilespmem:$0x10200] =	vst v63  }
0xef: {  	s13 =	spop (v2sf);
	(v2sf) =	vpush v0, $0xB  }
0xf0: {  	s0 =	sand.u32 $0x1FFFFFF0, s30  }
0xf1: {  	s31 =	sadd.s32 $0x480, s11;
	s0 =	sadd.s32 s3, s0  }
0xf2: {  	[tilespmem:s31], [sflag:$0x1] =	stream.linear.gather [hbm4b:s0+s1], $0x80, $0x38;
	[tilespmem:$0x10200] =	vst v63  }
0xf3: {  	s0 =	sand.u32 $0x1FFFFFF0, s2  }
0xf4: {  	s12 =	sadd.s32 $0x500, s11;
	s0 =	sadd.s32 s3, s0  }
0xf5: {  	[tilespmem:s12], [sflag:$0x1] =	stream.linear.gather [hbm4b:s0+s1], $0x80, $0x38;
	[tilespmem:$0x10200] =	vst v63  }
0xf6: {  	s0 =	sand.u32 $0x1FFFFFF0, s13  }
0xf7: {  	s14 =	sadd.s32 $0x580, s11;
	s0 =	sadd.s32 s3, s0;
	s15 =	spop (v2sf);
	(v2sf) =	vpush v0, $0xC  }
0xf8: {  	[tilespmem:s14], [sflag:$0x1] =	stream.linear.gather [hbm4b:s0+s1], $0x80, $0x38;
	[tilespmem:$0x10200] =	vst v63  }
0xf9: {  	s17 =	spop (v2sf);
	(v2sf) =	vpush v0, $0xD  }
0xfa: {  	s0 =	sand.u32 $0x1FFFFFF0, s15  }
0xfb: {  	s16 =	sadd.s32 $0x600, s11;
	s0 =	sadd.s32 s3, s0;
	s19 =	spop (v2sf)  }
0xfc: {  	(v2sf) =	vpush v0, $0xE;
	[tilespmem:s16], [sflag:$0x1] =	stream.linear.gather [hbm4b:s0+s1], $0x80, $0x38;
	[tilespmem:$0x10200] =	vst v63  }
0xfd: {  	s0 =	sand.u32 $0x1FFFFFF0, s17  }
0xfe: {  	s18 =	sadd.s32 $0x680, s11;
	s21 =	spop (v2sf);
	s0 =	sadd.s32 s3, s0  }
0xff: {  	(v2sf) =	vpush v0, $0xF;
	[tilespmem:s18], [sflag:$0x1] =	stream.linear.gather [hbm4b:s0+s1], $0x80, $0x38;
	[tilespmem:$0x10200] =	vst v63  }
0x100: {  	s0 =	sand.u32 $0x1FFFFFF0, s19  }
0x101: {  	s20 =	sadd.s32 $0x700, s11;
	s0 =	sadd.s32 s3, s0  }
0x102: {  	[tilespmem:s20], [sflag:$0x1] =	stream.linear.gather [hbm4b:s0+s1], $0x80, $0x38;
	[tilespmem:$0x10200] =	vst v63  }
0x103: {  	s0 =	sand.u32 $0x1FFFFFF0, s21  }
0x104: {  	s22 =	sadd.s32 $0x780, s11;
	s0 =	sadd.s32 s3, s0  }
0x105: {  	[tilespmem:s22], [sflag:$0x1] =	stream.linear.gather [hbm4b:s0+s1], $0x80, $0x38;
	[tilespmem:$0x10200] =	vst v63  }
0x106: {  	s23 =	spop (v2sf)  }
0x107: {  	s0 =	sand.u32 $0x1FFFFFF0, s23  }
0x108: {  	s24 =	sadd.s32 $0x800, s11;
	s25 =	spop (v2sf);
	s0 =	sadd.s32 s3, s0  }
0x109: {  	[tilespmem:s24], [sflag:$0x1] =	stream.linear.gather [hbm4b:s0+s1], $0x80, $0x38;
	[tilespmem:$0x10200] =	vst v63  }
0x10a: {  	s0 =	sand.u32 $0x1FFFFFF0, s25  }
0x10b: {  	s26 =	sadd.s32 $0x880, s11;
	s28 =	spop (v2sf);
	s0 =	sadd.s32 s3, s0  }
0x10c: {  	[tilespmem:s26], [sflag:$0x1] =	stream.linear.gather [hbm4b:s0+s1], $0x80, $0x38;
	[tilespmem:$0x10200] =	vst v63  }
0x10d: {  	s0 =	sand.u32 $0x1FFFFFF0, s28  }
0x10e: {  	s29 =	sadd.s32 $0x900, s11;
	s30 =	spop (v2sf);
	s0 =	sadd.s32 s3, s0  }
0x10f: {  	[tilespmem:s29], [sflag:$0x1] =	stream.linear.gather [hbm4b:s0+s1], $0x80, $0x38;
	[tilespmem:$0x10200] =	vst v63  }
0x110: {  	s0 =	sand.u32 $0x1FFFFFF0, s30  }
0x111: {  	s31 =	sadd.s32 $0x980, s11;
	s0 =	sadd.s32 s3, s0  }
0x112: {  	[tilespmem:s31], [sflag:$0x1] =	stream.linear.gather [hbm4b:s0+s1], $0x80, $0x38;
	[tilespmem:$0x10200] =	vst v63  }
0x113: {  	_ =	swait.ge [sflag:s8], $0x80  }
0x114: {  	[sflag:s8] =	ssyncset.done $0x0  }
0x115: {  	[sflag:s8] =	ssyncadd.s32 $0xFFFFFF80  }
0x116: {  	_ =	swait.ge [sflag:s8], $0x80  }
0x117: {  	[sflag:s8] =	ssyncset.done $0x0  }
0x118: {  	[sflag:s8] =	ssyncadd.s32 $0xFFFFFF80  }
0x119: {  	_ =	swait.ge [sflag:s8], $0x80  }
0x11a: {  	[sflag:s8] =	ssyncset.done $0x0  }
0x11b: {  	[sflag:s8] =	ssyncadd.s32 $0xFFFFFF80  }
0x11c: {  	_ =	swait.ge [sflag:s8], $0x80  }
0x11d: {  	[sflag:s8] =	ssyncset.done $0x0  }
0x11e: {  	[sflag:s8] =	ssyncadd.s32 $0xFFFFFF80  }
0x11f: {  	_ =	swait.ge [sflag:s8], $0x80  }
0x120: {  	[sflag:s8] =	ssyncset.done $0x0  }
0x121: {  	[sflag:s8] =	ssyncadd.s32 $0xFFFFFF80  }
0x122: {  	_ =	swait.ge [sflag:s8], $0x80  }
0x123: {  	[sflag:s8] =	ssyncset.done $0x0  }
0x124: {  	[sflag:s8] =	ssyncadd.s32 $0xFFFFFF80  }
0x125: {  	_ =	swait.ge [sflag:s8], $0x80  }
0x126: {  	[sflag:s8] =	ssyncset.done $0x0  }
0x127: {  	[sflag:s8] =	ssyncadd.s32 $0xFFFFFF80  }
0x128: {  	_ =	swait.ge [sflag:s8], $0x80  }
0x129: {  	[sflag:s8] =	ssyncset.done $0x0  }
0x12a: {  	[sflag:s8] =	ssyncadd.s32 $0xFFFFFF80  }
0x12b: {  	_ =	swait.ge [sflag:s8], $0x80  }
0x12c: {  	[sflag:s8] =	ssyncset.done $0x0  }
0x12d: {  	[sflag:s8] =	ssyncadd.s32 $0xFFFFFF80  }
0x12e: {  	_ =	swait.ge [sflag:s8], $0x80  }
0x12f: {  	[sflag:s8] =	ssyncset.done $0x0  }
0x130: {  	[sflag:s8] =	ssyncadd.s32 $0xFFFFFF80  }
0x131: {  	_ =	swait.ge [sflag:s8], $0x80  }
0x132: {  	[sflag:s8] =	ssyncset.done $0x0  }
0x133: {  	[sflag:s8] =	ssyncadd.s32 $0xFFFFFF80  }
0x134: {  	_ =	swait.ge [sflag:s8], $0x80  }
0x135: {  	[sflag:s8] =	ssyncset.done $0x0  }
0x136: {  	[sflag:s8] =	ssyncadd.s32 $0xFFFFFF80  }
0x137: {  	_ =	swait.ge [sflag:s8], $0x80  }
0x138: {  	[sflag:s8] =	ssyncset.done $0x0  }
0x139: {  	[sflag:s8] =	ssyncadd.s32 $0xFFFFFF80  }
0x13a: {  	_ =	swait.ge [sflag:s8], $0x80  }
0x13b: {  	[sflag:s8] =	ssyncset.done $0x0  }
0x13c: {  	[sflag:s8] =	ssyncadd.s32 $0xFFFFFF80  }
0x13d: {  	_ =	swait.ge [sflag:s8], $0x80  }
0x13e: {  	[sflag:s8] =	ssyncset.done $0x0  }
0x13f: {  	[sflag:s8] =	ssyncadd.s32 $0xFFFFFF80  }
0x140: {  	s10 =	sadd.s32 $0x1, s10;
	_ =	swait.ge [sflag:s8], $0x80  }
0x141: {  	p0 =	sne.s32 s10, s6;
	[sflag:s8] =	ssyncset.done $0x0  }
.Ltmp1:
0x142: {  	[sflag:s8] =	ssyncadd.s32 $0xFFFFFF80;
	(pc) =	sbr.rel @p0 .LBB2_1-.Ltmp1, $4  }
0x143: {  	[hbm4b:s5+s1] =	stream.linear.scatter [tilespmem:s9], [sflag:$0x2], $0x10000, $0x38;
	[tilespmem:$0x10200] =	vst v63  }
0x144: {  	_ =	swait.ge [sflag:s7], $0x10000  }
0x145: {  	[sflag:s7] =	ssyncset.done $0x0  }
0x146: {  	[sflag:s7] =	ssyncadd.s32 $0xFFFF0000  }
0x147: {  	_ =	sfence.sel $0x180000  }
0x148: {  	[bflag:$0x0] =	sbarrier.arrive $0xFFFF  }
0x149: {  	_ =	strace $0x9000004A  }
0x14a: {  	s0 =	stileid.u32;
	[bflag:$0x2] =	sbarrier.arrive $0xFFFF  }
0x14b: {  	p0 =	sne.s32 s0, $0x0;
	s0 =	rddreg [dreg:$0x2]  }
0x14c: {  	s0 =	sadd.s32 @!p0 $0x100000, s0  }
0x14d: {  	[sflag:s0] =	ssyncadd.tile.s32 @!p0 $0x1;
	_ =	shalt  }
.Lfunc_end2:
_tile_overlayer_lowered:
.L_overlay_start_2:
0x14e: {  	(tag) =	ssettag $0x2  }
0x14f: {  	s0 =	rddreg [dreg:$0x0];
	s2 =	stileid.u32  }
0x150: {  	s1 =	rddreg [dreg:$0x1];
	p0 =	sne.s32 s2, $0x0  }
0x151: {  	s3 =	rddreg [dreg:$0x2];
	[bflag:$0x3] =	sbarrier.arrive $0xFFFF;
	s2 =	simm.s32 @!p0 $0x1C02  }
0x152: {  	[timem:s3], [sflag:s2] =	dma.local @!p0 [hbm:s0], s1  }
0x153: {  	s0 =	simm.s32 @!p0 $0x2  }
0x154: {  	_ =	swait.ge @!p0 [sflag:s0], s1  }
0x155: {  	s1 =	ssub.s32 @!p0 $0x0, s1;
	[sflag:s0] =	ssyncset.done @!p0 $0x0  }
0x156: {  	[sflag:s0] =	ssyncadd.s32 @!p0 s1  }
0x157: {  	[bflag:$0x3] =	sbarrier.arrive $0xFFFF  }
0x158: {  	_ =	shalt  }

// kernel: kernel.7.cloned.1.call-start
scs
__scs_entry_jumppad:
0x0: {  	(pc) =	sbr.rel $0x88, $3  }
0x1: {  	(tag) =	ssettag $0x0;
	lr =	simm.s32 $0x1  }
0x2: {  	[smem:$0x3F9A] =	sst lr;
	_ =	strace $0xD0000000  }
0x3: {  	_ = 	snop  }
0x4: {  	_ = 	snop  }
0x5: {  	_ = 	snop  }
0x6: {  	_ = 	snop  }
0x7: {  	_ = 	snop  }
__scs_overlays_trampoline_lowered:
0x8: {  	[smem:$0x3FA9] =	sst s0  }
0x9: {  	[smem:$0x3FAA] =	sst s1  }
0xa: {  	[smem:$0x3FAB] =	sst s2  }
0xb: {  	[smem:$0x3FAC] =	sst s3  }
0xc: {  	[smem:$0x3FAD] =	sst s4  }
0xd: {  	[smem:$0x3FAE] =	sst s5  }
0xe: {  	[smem:$0x3FAF] =	sst s6  }
0xf: {  	[smem:$0x3FB0] =	sst s7  }
0x10: {  	[smem:$0x3FB1] =	sst s8  }
0x11: {  	[smem:$0x3FB2] =	sst s9;
	s0 =	simm.s32 @!p0 $0x0  }
0x12: {  	s1 =	sld [smem:$0x3F98];
	s0 =	simm.s32 @p0 $0x1  }
0x13: {  	[smem:$0x3FB3] =	sst s0;
	s0 =	simm.s32 @!p1 $0x0  }
0x14: {  	s2 =	sld [smem:$0x3F97];
	s0 =	simm.s32 @p1 $0x1  }
0x15: {  	[smem:$0x3FB4] =	sst s0;
	s0 =	simm.s32 @!p2 $0x0  }
0x16: {  	s3 =	sld [smem:$0x3FDB];
	s0 =	simm.s32 @p2 $0x1  }
0x17: {  	s4 =	simm.s32 $0x1BF5;
	[smem:$0x3FB6] =	sst s0  }
0x18: {  	s0 =	sld [smem:$0x3F99];
	_ =	swait.ge [sflag:s4], $0x0  }
0x19: {  	s7 =	sld [smem:$0x3F9A]  }
0x1a: {  	s8 =	sadd.s32 $0xFFFFE003, lr  }
0x1b: {  	s9 =	sadd.s32 $0xFFFFFEF7, lr;
	s5 =	simm.s32 $0xFFFFFFFF;
	p2 =	slt.u32 s8, $0xFFFFF086  }
0x1c: {  	p1 =	slt.u32 s9, $0xF7A;
	s5 =	simm.s32 @!p2 $0x0  }
0x1d: {  	s5 =	simm.s32 @p1 $0x1;
	p0 =	seq.s32 s7, s2  }
0x1e: {  	s7 =	smul.u32 @!p0 $0xF7A, s2;
	p2 =	seq.s32 @!p0 s5, $0x0  }
0x1f: {  	s9 =	smul.u32 $0xF7A, s1;
	s8 =	simm.s32 @!p0 $0x1BF5;
	p2 =	por !p2, p0  }
0x20: {  	[sflag:s8] =	ssyncset.s32 @!p0 $0xFFFFF086;
	s6 =	sadd.s32 @!p0 s3, s7;
	s7 =	simm.s32 @!p0 $0x108  }
0x21: {  	s3 =	sadd.s32 s3, s9;
	s6 =	sadd.s32 @!p0 $0x88, s6;
	s7 =	simm.s32 @p2 $0x1082  }
0x22: {  	[simem:s7], [sflag:s8] =	dma.local @!p0 [hbm:s6], $0xF7A  }
0x23: {  	s9 =	sor.u32 $0xD0000000, s2;
	s6 =	simm.s32 $0x108;
	_ =	swait.ge @!p0 [sflag:s8], $0x0  }
0x24: {  	s3 =	sadd.s32 $0x88, s3;
	s6 =	simm.s32 @!p1 $0x1082;
	[sflag:s4] =	ssyncset.s32 $0xFFFFF086  }
0x25: {  	[simem:s6], [sflag:s4] =	dma.local [hbm:s3], $0xF7A  }
0x26: {  	[smem:$0x3F9A] =	sst s1;
	(tag) =	ssettag s2;
	_ =	strace s9  }
0x27: {  	s1 =	sld [smem:$0x3FAA]  }
0x28: {  	s2 =	sld [smem:$0x3FAB]  }
0x29: {  	s4 =	sld [smem:$0x3FAD]  }
0x2a: {  	p0 =	seq.s32 s5, $0x0;
	s5 =	sld [smem:$0x3FAE]  }
0x2b: {  	s6 =	sld [smem:$0x3FAF]  }
0x2c: {  	s7 =	sld [smem:$0x3FB0]  }
0x2d: {  	s3 =	simm.s32 $0x108;
	s8 =	sld [smem:$0x3FB1]  }
0x2e: {  	s3 =	simm.s32 @!p0 $0x1082;
	s9 =	sld [smem:$0x3FB2]  }
0x2f: {  	lr =	sadd.s32 s0, s3;
	s0 =	sld [smem:$0x3FA9]  }
0x30: {  	s3 =	sld [smem:$0x3FAC]  }
0x31: {  	[smem:$0x3FB5] =	sst s10  }
0x32: {  	s10 =	sld [smem:$0x3FB3];
	_ =	sdelay $0x3  }
0x33: {  	p0 =	seq.s32 s10, $0x1;
	s10 =	sld [smem:$0x3FB5];
	_ =	sdelay $0x3  }
0x34: {  	[smem:$0x3FB5] =	sst s10  }
0x35: {  	s10 =	sld [smem:$0x3FB4];
	_ =	sdelay $0x3  }
0x36: {  	p1 =	seq.s32 s10, $0x1;
	s10 =	sld [smem:$0x3FB5];
	_ =	sdelay $0x3  }
0x37: {  	[smem:$0x3FB5] =	sst s10  }
0x38: {  	s10 =	sld [smem:$0x3FB6]  }
0x39: {  	_ = 	snop;
	(pc) =	sbr.ind lr, $3  }
0x3a: {  	_ = 	snop  }
0x3b: {  	_ = 	snop  }
0x3c: {  	p2 =	seq.s32 s10, $0x1;
	s10 =	sld [smem:$0x3FB5]  }
0x3d: {  	_ =	shalt  }
0x3e: {  	_ =	shalt  }
0x3f: {  	_ =	shalt  }
0x40: {  	_ =	shalt  }
0x41: {  	_ =	shalt  }
0x42: {  	_ =	shalt  }
0x43: {  	_ =	shalt  }
0x44: {  	_ =	shalt  }
0x45: {  	_ =	shalt  }
0x46: {  	_ =	shalt  }
0x47: {  	_ =	shalt  }
0x48: {  	_ =	shalt  }
0x49: {  	_ =	shalt  }
0x4a: {  	_ =	shalt  }
0x4b: {  	_ =	shalt  }
0x4c: {  	_ =	shalt  }
0x4d: {  	_ =	shalt  }
0x4e: {  	_ =	shalt  }
0x4f: {  	_ =	shalt  }
0x50: {  	_ =	shalt  }
0x51: {  	_ =	shalt  }
0x52: {  	_ =	shalt  }
0x53: {  	_ =	shalt  }
0x54: {  	_ =	shalt  }
0x55: {  	_ =	shalt  }
0x56: {  	_ =	shalt  }
0x57: {  	_ =	shalt  }
0x58: {  	_ =	shalt  }
0x59: {  	_ =	shalt  }
0x5a: {  	_ =	shalt  }
0x5b: {  	_ =	shalt  }
0x5c: {  	_ =	shalt  }
0x5d: {  	_ =	shalt  }
0x5e: {  	_ =	shalt  }
0x5f: {  	_ =	shalt  }
0x60: {  	_ =	shalt  }
0x61: {  	_ =	shalt  }
0x62: {  	_ =	shalt  }
0x63: {  	_ =	shalt  }
0x64: {  	_ =	shalt  }
0x65: {  	_ =	shalt  }
0x66: {  	_ =	shalt  }
0x67: {  	_ =	shalt  }
0x68: {  	_ =	shalt  }
0x69: {  	_ =	shalt  }
0x6a: {  	_ =	shalt  }
0x6b: {  	_ =	shalt  }
0x6c: {  	_ =	shalt  }
0x6d: {  	_ =	shalt  }
0x6e: {  	_ =	shalt  }
0x6f: {  	_ =	shalt  }
0x70: {  	_ =	shalt  }
0x71: {  	_ =	shalt  }
0x72: {  	_ =	shalt  }
0x73: {  	_ =	shalt  }
0x74: {  	_ =	shalt  }
0x75: {  	_ =	shalt  }
0x76: {  	_ =	shalt  }
0x77: {  	_ =	shalt  }
0x78: {  	_ =	shalt  }
0x79: {  	_ =	shalt  }
0x7a: {  	_ =	shalt  }
0x7b: {  	_ =	shalt  }
0x7c: {  	_ =	shalt  }
0x7d: {  	_ =	shalt  }
0x7e: {  	_ =	shalt  }
0x7f: {  	_ =	shalt  }
0x80: {  	_ =	shalt  }
0x81: {  	_ =	shalt  }
0x82: {  	_ =	shalt  }
0x83: {  	_ =	shalt  }
0x84: {  	_ =	shalt  }
0x85: {  	_ =	shalt  }
0x86: {  	_ =	shalt  }
0x87: {  	_ =	shalt  }
.Lfunc_end0:
.L_simem_size_0:
called_computation_lowered:
.L_overlay_start_0:
0x88: {  	s2 =	sld [smem:$0x3FD9]  }
0x89: {  	s3 =	sld [smem:$0x3FFE];
	_ =	sdelay $0x1  }
0x8a: {  	s1 =	srdreg.scid  }
0x8b: {  	s0 =	sand.u32 $0x1, s1  }
0x8c: {  	s16 =	sshll.u32 s0, $0xA;
	s2 =	sadd.s32 s3, s2  }
0x8d: {  	s2 =	sadd.s32 s2, s16  }
0x8e: {  	[smem:$0x3FC1] =	sst s2  }
0x8f: {  	_ = 	snop  }
0x90: {  	(tm) =	ssettm $0x1  }
0x91: {  	s17 =	sld [smem:$0x3FFB];
	_ =	sdelay $0x3  }
0x92: {  	_ =	strace s17  }
0x93: {  	s2 =	sld [smem:$0x3FFC];
	_ =	sdelay $0x3  }
0x94: {  	_ =	strace s2  }
0x95: {  	s2 =	sld [smem:$0x3FFD];
	_ =	sdelay $0x3  }
0x96: {  	_ =	strace s2  }
0x97: {  	_ =	strace $0x8FFFFFFF  }
0x98: {  	s18 =	sld [smem:$0x3FDB];
	_ =	sdelay $0x1  }
0x99: {  	s19 =	simm.s32 $_scs_section_size  }
0x9a: {  	s4 =	simm.s32 $_size__tile_overlayer_lowered;
	s5 =	simm.s32 $_tile_overlayer_lowered  }
0x9b: {  	s22 =	simm.s32 $0x1BFF;
	s21 =	sshll.u32 s5, $0x1;
	s2 =	sadd.s32 s19, s18  }
0x9c: {  	s6 =	simm.s32 $0x0;
	s20 =	sshll.u32 s4, $0x1;
	s4 =	sadd.s32 s21, s2  }
0x9d: {  	[timem:s6], [sflag:s22] =	dma.local [hbm:s4], s20  }
0x9e: {  	_ =	swait.ge [sflag:s22], s20  }
0x9f: {  	s3 =	ssub.s32 $0x0, s20;
	[sflag:s22] =	ssyncset.done $0x0  }
0xa0: {  	[sflag:s22] =	ssyncadd.s32 s3;
	_ =	sdelay $0x1  }
0xa1: {  	s23 =	simm.s32 $0x1B8B  }
0xa2: {  	_ =	swait.ge [sflag:s23], $0x1  }
0xa3: {  	[sflag:s23] =	ssyncset.done $0x0  }
0xa4: {  	s25 =	simm.s32 $0x1B8E;
	s24 =	sld [smem:$0x3FFE];
	[sflag:s23] =	ssyncadd.s32 $0xFFFFFFFF  }
0xa5: {  	s26 =	simm.s32 $execute0_lowered;
	[smem:$0x3FD2] =	sst s25  }
0xa6: {  	s4 =	sshll.u32 s26, $0x1;
	_ =	strace $0x80000046;
	[dreg:$0x1] =	wrdreg $0xFFFFFFFF  }
0xa7: {  	s28 =	simm.s32 $_size_execute0_lowered;
	s2 =	sadd.s32 s2, s4;
	[dreg:$0x0] =	wrdreg $0x0  }
0xa8: {  	s4 =	sshll.u32 s28, $0x1;
	[dreg:$0x2] =	wrdreg s2  }
0xa9: {  	[dreg:$0x3] =	wrdreg s4  }
0xaa: {  	[dreg:$0x4] =	wrdreg $0xC0  }
0xab: {  	_ =	task [dreg:s6], $0x5FFFF  }
0xac: {  	[dreg:$0x1] =	wrdreg $0xFFFFFFFF  }
0xad: {  	[dreg:$0x0] =	wrdreg $0x60  }
0xae: {  	[dreg:$0x2] =	wrdreg s24  }
0xaf: {  	[dreg:$0x3] =	wrdreg $0x9  }
0xb0: {  	_ =	task.clear_ibuf [dreg:s6], $0x4FFFF;
	_ =	strace $0x90000046  }
0xb1: {  	s29 =	simm.s32 $0x9;
	_ =	strace $0x80000048  }
0xb2: {  	_ =	swait.ge [sflag:s29], $0x1  }
0xb3: {  	[sflag:s29] =	ssyncadd.s32 $0xFFFFFFFF  }
0xb4: {  	_ =	strace $0x90000048  }
0xb5: {  	_ =	sfence  }
0xb6: {  	s30 =	sld [smem:$0x0];
	_ =	sdelay $0x2  }
0xb7: {  	s31 =	sshll.u32 s1, $0xD;
	s1 =	sshrl.u32 s1, $0x2  }
0xb8: {  	s3 =	sand.u32 $0x4000, s31;
	s1 =	sadd.s32 s1, s30  }
0xb9: {  	s0 =	sor.u32 s3, s0;
	s1 =	sshll.u32 s1, $0x11  }
0xba: {  	s0 =	sor.u32 s1, s0  }
0xbb: {  	s0 =	sadd.s32 $0x8F2B, s0  }
0xbc: {  	[sflag:s0] =	ssyncadd.remote.s32 $0x1  }
0xbd: {  	_ =	sfence.sel $0xFFFF  }
0xbe: {  	[dreg:$0x0] =	wrdreg $0xFFFFFFFF;
	(pc) =	sbr.abs _section_cstart, $3  }
0xbf: {  	[dreg:$0x1] =	wrdreg $0xFFFFFFFF  }
0xc0: {  	_ =	task.clear_ibuf [dreg:s6], $0x2FFFF;
	_ =	strace $0x9FFFFFFF  }
0xc1: {  	(tm) =	ssettm $0x7FFFFFFF  }
tec
execute0_lowered:
.L_overlay_start_1:
0x0: {  	(tag) =	ssettag $0x1  }
0x1: {  	s4 =	rddreg [dreg:$0x0];
	s2 =	srdreg.scid  }
0x2: {  	s1 =	simm.s32 $0x0;
	s0 =	stileid.u32;
	s9 =	simm.s32 $0x200  }
0x3: {  	s10 =	simm.s32 $0x0;
	s5 =	sand.u32 $0x1, s2;
	[smem:$0x7FF] =	sst s1  }
0x4: {  	s3 =	sadd.s32 $0x2400, s4;
	s29 =	sshll.u32 s0, $0x7;
	s30 =	sshll.u32 s0, $0xE  }
0x5: {  	s2 =	sshll.u32 s5, $0x6;
	_ =	strace $0x80000047;
	s28 =	ssub.s32 $0x2, s5  }
0x6: {  	s7 =	sshll.u32 s5, $0xD;
	s6 =	sadd.s32 s2, s4;
	s8 =	sshrl.u32 s28, $0x1  }
0x7: {  	s7 =	sadd.s32 s7, s4;
	s5 =	sadd.s32 s29, s6;
	s8 =	ssub.s32 s28, s8  }
0x8: {  	s31 =	sadd.s32 s30, s7;
	s7 =	simm.s32 $0x2;
	s4 =	sadd.s32 $0x1C00, s5  }
0x9: {  	s5 =	sadd.s32 $0x7C2400, s31;
	s6 =	smax.u32 s8, $0x1;
	s8 =	simm.s32 $0x1  }
.LBB2_1:
0xa: {  	[tilespmem:s1], [sflag:$0x2] =	stream.linear.gather [hbm4b:s4+s1], $0x200, $0x38;
	[tilespmem:$0x10200] =	vst v63  }
0xb: {  	_ =	swait.ge [sflag:s7], $0x200  }
0xc: {  	[sflag:s7] =	ssyncset.done $0x0  }
0xd: {  	s11 =	sand.u32 $0x1F0, s1;
	[sflag:s7] =	ssyncadd.s32 $0xFFFFFE00  }
0xe: {  	v0 =	vld [tilespmem:s11+$0x0];
	_ =	sdelay $0x4  }
0xf: {  	v1 =	vshrl.u32 v0, $0x1  }
0x10: {  	v0 =	vand.u32 $0x1FFF, v0;
	v1 =	vand.u32 $0xFFFFE000, v1  }
0x11: {  	v0 =	vor.u32 v0, v1  }
0x12: {  	v0 =	vshll.u32 v0, $0x4  }
0x13: {  	(v2sf) =	vpush v0, $0x0  }
0x14: {  	(v2sf) =	vpush v0, $0x1  }
0x15: {  	(v2sf) =	vpush v0, $0x2;
	_ =	sdelay $0x1  }
0x16: {  	(v2sf) =	vpush v0, $0x3;
	_ =	sdelay $0x1  }
0x17: {  	(v2sf) =	vpush v0, $0x4;
	_ =	sdelay $0x1  }
0x18: {  	(v2sf) =	vpush v0, $0x5;
	_ =	sdelay $0x1  }
0x19: {  	(v2sf) =	vpush v0, $0x6  }
0x1a: {  	s13 =	simm.s32 $0x280;
	s14 =	simm.s32 $0x380  }
0x1b: {  	s15 =	simm.s32 $0x400;
	s16 =	simm.s32 $0x200;
	s17 =	simm.s32 $0x300;
	(v2sf) =	vpush v0, $0x7  }
0x1c: {  	s18 =	simm.s32 $0x480;
	s12 =	simm.s32 $0x800;
	s19 =	simm.s32 $0x680  }
0x1d: {  	s20 =	simm.s32 $0x700;
	s21 =	simm.s32 $0x780;
	s22 =	simm.s32 $0x500;
	(v2sf) =	vpush v0, $0x8  }
0x1e: {  	s23 =	simm.s32 $0x600;
	s25 =	simm.s32 $0x580;
	s24 =	spop (v2sf)  }
0x1f: {  	s11 =	simm.s32 $0x880;
	(v2sf) =	vpush v0, $0x9;
	s24 =	sand.u32 $0x1FFFFFF0, s24;
	s26 =	spop (v2sf)  }
0x20: {  	s24 =	sadd.s32 s3, s24;
	s26 =	sand.u32 $0x1FFFFFF0, s26;
	s28 =	spop (v2sf)  }
0x21: {  	(v2sf) =	vpush v0, $0xA;
	[tilespmem:s16], [sflag:$0x1] =	stream.linear.gather [hbm4b:s24+s1], $0x80, $0x38;
	[tilespmem:$0x10200] =	vst v63  }
0x22: {  	s26 =	sadd.s32 s3, s26;
	s29 =	sand.u32 $0x1FFFFFF0, s28;
	s30 =	spop (v2sf)  }
0x23: {  	(v2sf) =	vpush v0, $0xB;
	[tilespmem:s13], [sflag:$0x1] =	stream.linear.gather [hbm4b:s26+s1], $0x80, $0x38;
	[tilespmem:$0x10200] =	vst v63  }
0x24: {  	s31 =	sadd.s32 s3, s29;
	s0 =	sand.u32 $0x1FFFFFF0, s30;
	s2 =	spop (v2sf)  }
0x25: {  	(v2sf) =	vpush v0, $0xC;
	[tilespmem:s17], [sflag:$0x1] =	stream.linear.gather [hbm4b:s31+s1], $0x80, $0x38;
	[tilespmem:$0x10200] =	vst v63  }
0x26: {  	s24 =	sand.u32 $0x1FFFFFF0, s2;
	s26 =	spop (v2sf);
	s17 =	sadd.s32 s3, s0  }
0x27: {  	(v2sf) =	vpush v0, $0xD;
	[tilespmem:s14], [sflag:$0x1] =	stream.linear.gather [hbm4b:s17+s1], $0x80, $0x38;
	[tilespmem:$0x10200] =	vst v63  }
0x28: {  	s28 =	sadd.s32 s3, s24;
	s29 =	sand.u32 $0x1FFFFFF0, s26;
	s30 =	spop (v2sf)  }
0x29: {  	(v2sf) =	vpush v0, $0xE;
	[tilespmem:s15], [sflag:$0x1] =	stream.linear.gather [hbm4b:s28+s1], $0x80, $0x38;
	[tilespmem:$0x10200] =	vst v63  }
0x2a: {  	s31 =	sadd.s32 s3, s29;
	s0 =	sand.u32 $0x1FFFFFF0, s30;
	s2 =	spop (v2sf)  }
0x2b: {  	(v2sf) =	vpush v0, $0xF;
	[tilespmem:s18], [sflag:$0x1] =	stream.linear.gather [hbm4b:s31+s1], $0x80, $0x38;
	[tilespmem:$0x10200] =	vst v63  }
0x2c: {  	s16 =	sadd.s32 s3, s0;
	s17 =	sand.u32 $0x1FFFFFF0, s2;
	s18 =	spop (v2sf)  }
0x2d: {  	[tilespmem:s22], [sflag:$0x1] =	stream.linear.gather [hbm4b:s16+s1], $0x80, $0x38;
	[tilespmem:$0x10200] =	vst v63  }
0x2e: {  	s24 =	sand.u32 $0x1FFFFFF0, s18;
	s22 =	sadd.s32 s3, s17;
	s26 =	spop (v2sf)  }
0x2f: {  	[tilespmem:s25], [sflag:$0x1] =	stream.linear.gather [hbm4b:s22+s1], $0x80, $0x38;
	[tilespmem:$0x10200] =	vst v63  }
0x30: {  	s28 =	sadd.s32 s3, s24;
	s29 =	sand.u32 $0x1FFFFFF0, s26;
	s30 =	spop (v2sf)  }
0x31: {  	[tilespmem:s23], [sflag:$0x1] =	stream.linear.gather [hbm4b:s28+s1], $0x80, $0x38;
	[tilespmem:$0x10200] =	vst v63  }
0x32: {  	s31 =	sadd.s32 s3, s29;
	s0 =	sand.u32 $0x1FFFFFF0, s30;
	s2 =	spop (v2sf)  }
0x33: {  	[tilespmem:s19], [sflag:$0x1] =	stream.linear.gather [hbm4b:s31+s1], $0x80, $0x38;
	[tilespmem:$0x10200] =	vst v63  }
0x34: {  	s14 =	sadd.s32 s3, s0;
	s15 =	sand.u32 $0x1FFFFFF0, s2;
	s16 =	spop (v2sf)  }
0x35: {  	[tilespmem:s20], [sflag:$0x1] =	stream.linear.gather [hbm4b:s14+s1], $0x80, $0x38;
	[tilespmem:$0x10200] =	vst v63  }
0x36: {  	s17 =	sadd.s32 s3, s15;
	s18 =	sand.u32 $0x1FFFFFF0, s16;
	s19 =	spop (v2sf)  }
0x37: {  	[tilespmem:s21], [sflag:$0x1] =	stream.linear.gather [hbm4b:s17+s1], $0x80, $0x38;
	[tilespmem:$0x10200] =	vst v63  }
0x38: {  	s22 =	spop (v2sf);
	s20 =	sadd.s32 s3, s18;
	s21 =	sand.u32 $0x1FFFFFF0, s19  }
0x39: {  	[tilespmem:s12], [sflag:$0x1] =	stream.linear.gather [hbm4b:s20+s1], $0x80, $0x38;
	[tilespmem:$0x10200] =	vst v63  }
0x3a: {  	s24 =	sand.u32 $0x1FFFFFF0, s22;
	s25 =	spop (v2sf);
	s23 =	sadd.s32 s3, s21  }
0x3b: {  	[tilespmem:s11], [sflag:$0x1] =	stream.linear.gather [hbm4b:s23+s1], $0x80, $0x38;
	[tilespmem:$0x10200] =	vst v63  }
0x3c: {  	s26 =	simm.s32 $0x900;
	s28 =	sadd.s32 s3, s24;
	s29 =	sand.u32 $0x1FFFFFF0, s25  }
0x3d: {  	[tilespmem:s26], [sflag:$0x1] =	stream.linear.gather [hbm4b:s28+s1], $0x80, $0x38;
	[tilespmem:$0x10200] =	vst v63  }
0x3e: {  	s30 =	simm.s32 $0x980;
	s31 =	sadd.s32 s3, s29  }
0x3f: {  	[tilespmem:s30], [sflag:$0x1] =	stream.linear.gather [hbm4b:s31+s1], $0x80, $0x38;
	[tilespmem:$0x10200] =	vst v63  }
0x40: {  	_ =	swait.ge [sflag:s8], $0x80  }
0x41: {  	[sflag:s8] =	ssyncset.done $0x0  }
0x42: {  	[sflag:s8] =	ssyncadd.s32 $0xFFFFFF80  }
0x43: {  	_ =	swait.ge [sflag:s8], $0x80  }
0x44: {  	[sflag:s8] =	ssyncset.done $0x0  }
0x45: {  	[sflag:s8] =	ssyncadd.s32 $0xFFFFFF80  }
0x46: {  	_ =	swait.ge [sflag:s8], $0x80  }
0x47: {  	[sflag:s8] =	ssyncset.done $0x0  }
0x48: {  	[sflag:s8] =	ssyncadd.s32 $0xFFFFFF80  }
0x49: {  	_ =	swait.ge [sflag:s8], $0x80  }
0x4a: {  	[sflag:s8] =	ssyncset.done $0x0  }
0x4b: {  	[sflag:s8] =	ssyncadd.s32 $0xFFFFFF80  }
0x4c: {  	_ =	swait.ge [sflag:s8], $0x80  }
0x4d: {  	[sflag:s8] =	ssyncset.done $0x0  }
0x4e: {  	[sflag:s8] =	ssyncadd.s32 $0xFFFFFF80  }
0x4f: {  	_ =	swait.ge [sflag:s8], $0x80  }
0x50: {  	[sflag:s8] =	ssyncset.done $0x0  }
0x51: {  	[sflag:s8] =	ssyncadd.s32 $0xFFFFFF80  }
0x52: {  	_ =	swait.ge [sflag:s8], $0x80  }
0x53: {  	[sflag:s8] =	ssyncset.done $0x0  }
0x54: {  	[sflag:s8] =	ssyncadd.s32 $0xFFFFFF80  }
0x55: {  	_ =	swait.ge [sflag:s8], $0x80  }
0x56: {  	[sflag:s8] =	ssyncset.done $0x0  }
0x57: {  	[sflag:s8] =	ssyncadd.s32 $0xFFFFFF80  }
0x58: {  	_ =	swait.ge [sflag:s8], $0x80  }
0x59: {  	[sflag:s8] =	ssyncset.done $0x0  }
0x5a: {  	[sflag:s8] =	ssyncadd.s32 $0xFFFFFF80  }
0x5b: {  	_ =	swait.ge [sflag:s8], $0x80  }
0x5c: {  	[sflag:s8] =	ssyncset.done $0x0  }
0x5d: {  	[sflag:s8] =	ssyncadd.s32 $0xFFFFFF80  }
0x5e: {  	_ =	swait.ge [sflag:s8], $0x80  }
0x5f: {  	[sflag:s8] =	ssyncset.done $0x0  }
0x60: {  	[sflag:s8] =	ssyncadd.s32 $0xFFFFFF80  }
0x61: {  	_ =	swait.ge [sflag:s8], $0x80  }
0x62: {  	[sflag:s8] =	ssyncset.done $0x0  }
0x63: {  	[sflag:s8] =	ssyncadd.s32 $0xFFFFFF80  }
0x64: {  	_ =	swait.ge [sflag:s8], $0x80  }
0x65: {  	[sflag:s8] =	ssyncset.done $0x0  }
0x66: {  	[sflag:s8] =	ssyncadd.s32 $0xFFFFFF80  }
0x67: {  	s13 =	simm.s32 $0x4000;
	_ =	swait.ge [sflag:s8], $0x80  }
0x68: {  	s12 =	simm.s32 $0x10;
	s11 =	simm.s32 $0x2000;
	[sflag:s8] =	ssyncset.done $0x0  }
.LBB2_2:
0x69: {  	p0 =	sne.s32 s13, $0x3E000;
	s14 =	sand.u32 $0x1F0, s12;
	[sflag:s8] =	ssyncadd.s32 $0xFFFFFF80  }
0x6a: {  	s15 =	smov.u32 s13;
	s13 =	sadd.s32 $0x2000, s13;
	_ =	swait.ge [sflag:s8], $0x80  }
0x6b: {  	[sflag:s8] =	ssyncset.done $0x0  }
0x6c: {  	[sflag:s8] =	ssyncadd.s32 $0xFFFFFF80  }
0x6d: {  	_ =	swait.ge [sflag:s8], $0x80  }
0x6e: {  	[sflag:s8] =	ssyncset.done $0x0  }
0x6f: {  	[sflag:s8] =	ssyncadd.s32 $0xFFFFFF80  }
0x70: {  	v0 =	vld [tilespmem:s14+$0x0];
	_ =	sdelay $0x4  }
0x71: {  	v1 =	vshrl.u32 v0, $0x1  }
0x72: {  	v0 =	vand.u32 $0x1FFF, v0;
	v1 =	vand.u32 $0xFFFFE000, v1  }
0x73: {  	v0 =	vor.u32 v0, v1  }
0x74: {  	v0 =	vshll.u32 v0, $0x4  }
0x75: {  	(v2sf) =	vpush v0, $0x0  }
0x76: {  	(v2sf) =	vpush v0, $0x1  }
0x77: {  	(v2sf) =	vpush v0, $0x2;
	_ =	sdelay $0x1  }
0x78: {  	(v2sf) =	vpush v0, $0x3;
	_ =	sdelay $0x1  }
0x79: {  	(v2sf) =	vpush v0, $0x4;
	_ =	sdelay $0x1  }
0x7a: {  	(v2sf) =	vpush v0, $0x5;
	_ =	sdelay $0x1  }
0x7b: {  	s14 =	sshra.s32 s11, $0x2;
	s11 =	smov.u32 s15;
	(v2sf) =	vpush v0, $0x6  }
0x7c: {  	s22 =	sadd.s32 $0x280, s14;
	s23 =	sadd.s32 $0x380, s14;
	s24 =	sadd.s32 $0x400, s14  }
0x7d: {  	s25 =	sadd.s32 $0x200, s14;
	s26 =	sadd.s32 $0x300, s14;
	s15 =	sadd.s32 $0x980, s14;
	(v2sf) =	vpush v0, $0x7  }
0x7e: {  	s28 =	sadd.s32 $0x480, s14;
	s17 =	sadd.s32 $0x800, s14;
	s16 =	sadd.s32 $0x880, s14  }
0x7f: {  	s20 =	sadd.s32 $0x680, s14;
	s19 =	sadd.s32 $0x700, s14;
	s18 =	sadd.s32 $0x780, s14;
	(v2sf) =	vpush v0, $0x8  }
0x80: {  	s29 =	sadd.s32 $0x500, s14;
	s21 =	sadd.s32 $0x600, s14;
	s30 =	spop (v2sf)  }
0x81: {  	s31 =	sadd.s32 $0x580, s14;
	s30 =	sand.u32 $0x1FFFFFF0, s30;
	s0 =	spop (v2sf);
	(v2sf) =	vpush v0, $0x9  }
0x82: {  	s30 =	sadd.s32 s3, s30;
	s0 =	sand.u32 $0x1FFFFFF0, s0;
	s2 =	spop (v2sf)  }
0x83: {  	[tilespmem:s25], [sflag:$0x1] =	stream.linear.gather [hbm4b:s30+s1], $0x80, $0x38;
	(v2sf) =	vpush v0, $0xA;
	[tilespmem:$0x10200] =	vst v63  }
0x84: {  	s0 =	sadd.s32 s3, s0;
	s2 =	sand.u32 $0x1FFFFFF0, s2;
	s25 =	spop (v2sf)  }
0x85: {  	[tilespmem:s22], [sflag:$0x1] =	stream.linear.gather [hbm4b:s0+s1], $0x80, $0x38;
	(v2sf) =	vpush v0, $0xB;
	[tilespmem:$0x10200] =	vst v63  }
0x86: {  	s0 =	sadd.s32 s3, s2;
	s2 =	sand.u32 $0x1FFFFFF0, s25;
	s22 =	spop (v2sf)  }
0x87: {  	[tilespmem:s26], [sflag:$0x1] =	stream.linear.gather [hbm4b:s0+s1], $0x80, $0x38;
	(v2sf) =	vpush v0, $0xC;
	[tilespmem:$0x10200] =	vst v63  }
0x88: {  	s0 =	sadd.s32 s3, s2;
	s2 =	sand.u32 $0x1FFFFFF0, s22;
	s22 =	spop (v2sf)  }
0x89: {  	[tilespmem:s23], [sflag:$0x1] =	stream.linear.gather [hbm4b:s0+s1], $0x80, $0x38;
	(v2sf) =	vpush v0, $0xD;
	[tilespmem:$0x10200] =	vst v63  }
0x8a: {  	s0 =	sadd.s32 s3, s2;
	s2 =	sand.u32 $0x1FFFFFF0, s22;
	s22 =	spop (v2sf)  }
0x8b: {  	[tilespmem:s24], [sflag:$0x1] =	stream.linear.gather [hbm4b:s0+s1], $0x80, $0x38;
	(v2sf) =	vpush v0, $0xE;
	[tilespmem:$0x10200] =	vst v63  }
0x8c: {  	s0 =	sadd.s32 s3, s2;
	s2 =	sand.u32 $0x1FFFFFF0, s22;
	s22 =	spop (v2sf)  }
0x8d: {  	[tilespmem:s28], [sflag:$0x1] =	stream.linear.gather [hbm4b:s0+s1], $0x80, $0x38;
	(v2sf) =	vpush v0, $0xF;
	[tilespmem:$0x10200] =	vst v63  }
0x8e: {  	s0 =	sadd.s32 s3, s2;
	s2 =	sand.u32 $0x1FFFFFF0, s22;
	s22 =	spop (v2sf)  }
0x8f: {  	[tilespmem:s29], [sflag:$0x1] =	stream.linear.gather [hbm4b:s0+s1], $0x80, $0x38;
	[tilespmem:$0x10200] =	vst v63  }
0x90: {  	s0 =	sadd.s32 s3, s2;
	s2 =	sand.u32 $0x1FFFFFF0, s22;
	s22 =	spop (v2sf)  }
0x91: {  	[tilespmem:s31], [sflag:$0x1] =	stream.linear.gather [hbm4b:s0+s1], $0x80, $0x38;
	[tilespmem:$0x10200] =	vst v63  }
0x92: {  	s0 =	sadd.s32 s3, s2;
	s2 =	sand.u32 $0x1FFFFFF0, s22;
	s22 =	spop (v2sf)  }
0x93: {  	[tilespmem:s21], [sflag:$0x1] =	stream.linear.gather [hbm4b:s0+s1], $0x80, $0x38;
	[tilespmem:$0x10200] =	vst v63  }
0x94: {  	s0 =	sadd.s32 s3, s2;
	s2 =	sand.u32 $0x1FFFFFF0, s22;
	s21 =	spop (v2sf)  }
0x95: {  	[tilespmem:s20], [sflag:$0x1] =	stream.linear.gather [hbm4b:s0+s1], $0x80, $0x38;
	[tilespmem:$0x10200] =	vst v63  }
0x96: {  	s0 =	sadd.s32 s3, s2;
	s2 =	sand.u32 $0x1FFFFFF0, s21;
	s20 =	spop (v2sf)  }
0x97: {  	[tilespmem:s19], [sflag:$0x1] =	stream.linear.gather [hbm4b:s0+s1], $0x80, $0x38;
	[tilespmem:$0x10200] =	vst v63  }
0x98: {  	s0 =	sadd.s32 s3, s2;
	s2 =	sand.u32 $0x1FFFFFF0, s20;
	s19 =	spop (v2sf)  }
0x99: {  	[tilespmem:s18], [sflag:$0x1] =	stream.linear.gather [hbm4b:s0+s1], $0x80, $0x38;
	[tilespmem:$0x10200] =	vst v63  }
0x9a: {  	s0 =	sadd.s32 s3, s2;
	s2 =	sand.u32 $0x1FFFFFF0, s19;
	s18 =	spop (v2sf)  }
0x9b: {  	[tilespmem:s17], [sflag:$0x1] =	stream.linear.gather [hbm4b:s0+s1], $0x80, $0x38;
	[tilespmem:$0x10200] =	vst v63  }
0x9c: {  	s0 =	sadd.s32 s3, s2;
	s2 =	sand.u32 $0x1FFFFFF0, s18;
	s17 =	spop (v2sf)  }
0x9d: {  	[tilespmem:s16], [sflag:$0x1] =	stream.linear.gather [hbm4b:s0+s1], $0x80, $0x38;
	[tilespmem:$0x10200] =	vst v63  }
0x9e: {  	s2 =	sadd.s32 s3, s2;
	s0 =	sadd.s32 $0x900, s14;
	s14 =	sand.u32 $0x1FFFFFF0, s17  }
0x9f: {  	[tilespmem:s0], [sflag:$0x1] =	stream.linear.gather [hbm4b:s2+s1], $0x80, $0x38;
	[tilespmem:$0x10200] =	vst v63  }
0xa0: {  	s0 =	sadd.s32 s3, s14  }
0xa1: {  	[tilespmem:s15], [sflag:$0x1] =	stream.linear.gather [hbm4b:s0+s1], $0x80, $0x38;
	[tilespmem:$0x10200] =	vst v63  }
0xa2: {  	_ =	swait.ge [sflag:s8], $0x80  }
0xa3: {  	[sflag:s8] =	ssyncset.done $0x0  }
0xa4: {  	[sflag:s8] =	ssyncadd.s32 $0xFFFFFF80  }
0xa5: {  	_ =	swait.ge [sflag:s8], $0x80  }
0xa6: {  	[sflag:s8] =	ssyncset.done $0x0  }
0xa7: {  	[sflag:s8] =	ssyncadd.s32 $0xFFFFFF80  }
0xa8: {  	_ =	swait.ge [sflag:s8], $0x80  }
0xa9: {  	[sflag:s8] =	ssyncset.done $0x0  }
0xaa: {  	[sflag:s8] =	ssyncadd.s32 $0xFFFFFF80  }
0xab: {  	_ =	swait.ge [sflag:s8], $0x80  }
0xac: {  	[sflag:s8] =	ssyncset.done $0x0  }
0xad: {  	[sflag:s8] =	ssyncadd.s32 $0xFFFFFF80  }
0xae: {  	_ =	swait.ge [sflag:s8], $0x80  }
0xaf: {  	[sflag:s8] =	ssyncset.done $0x0  }
0xb0: {  	[sflag:s8] =	ssyncadd.s32 $0xFFFFFF80  }
0xb1: {  	_ =	swait.ge [sflag:s8], $0x80  }
0xb2: {  	[sflag:s8] =	ssyncset.done $0x0  }
0xb3: {  	[sflag:s8] =	ssyncadd.s32 $0xFFFFFF80  }
0xb4: {  	_ =	swait.ge [sflag:s8], $0x80  }
0xb5: {  	[sflag:s8] =	ssyncset.done $0x0  }
0xb6: {  	[sflag:s8] =	ssyncadd.s32 $0xFFFFFF80  }
0xb7: {  	_ =	swait.ge [sflag:s8], $0x80  }
0xb8: {  	[sflag:s8] =	ssyncset.done $0x0  }
0xb9: {  	[sflag:s8] =	ssyncadd.s32 $0xFFFFFF80  }
0xba: {  	_ =	swait.ge [sflag:s8], $0x80  }
0xbb: {  	[sflag:s8] =	ssyncset.done $0x0  }
0xbc: {  	[sflag:s8] =	ssyncadd.s32 $0xFFFFFF80  }
0xbd: {  	_ =	swait.ge [sflag:s8], $0x80  }
0xbe: {  	[sflag:s8] =	ssyncset.done $0x0  }
0xbf: {  	[sflag:s8] =	ssyncadd.s32 $0xFFFFFF80  }
0xc0: {  	_ =	swait.ge [sflag:s8], $0x80  }
0xc1: {  	[sflag:s8] =	ssyncset.done $0x0  }
0xc2: {  	[sflag:s8] =	ssyncadd.s32 $0xFFFFFF80  }
0xc3: {  	_ =	swait.ge [sflag:s8], $0x80  }
0xc4: {  	[sflag:s8] =	ssyncset.done $0x0  }
0xc5: {  	[sflag:s8] =	ssyncadd.s32 $0xFFFFFF80  }
.Ltmp0:
0xc6: {  	_ =	swait.ge [sflag:s8], $0x80;
	(pc) =	sbr.rel @p0 .LBB2_2-.Ltmp0, $4  }
0xc7: {  	[sflag:s8] =	ssyncset.done $0x0  }
0xc8: {  	[sflag:s8] =	ssyncadd.s32 $0xFFFFFF80  }
0xc9: {  	_ =	swait.ge [sflag:s8], $0x80  }
0xca: {  	s12 =	sadd.s32 $0x10, s12;
	[sflag:s8] =	ssyncset.done $0x0  }
0xcb: {  	[sflag:s8] =	ssyncadd.s32 $0xFFFFFF80  }
0xcc: {  	_ =	swait.ge [sflag:s8], $0x80  }
0xcd: {  	[sflag:s8] =	ssyncset.done $0x0  }
0xce: {  	[sflag:s8] =	ssyncadd.s32 $0xFFFFFF80  }
0xcf: {  	_ =	swait.ge [sflag:s8], $0x80  }
0xd0: {  	[sflag:s8] =	ssyncset.done $0x0  }
0xd1: {  	s0 =	sand.u32 $0x1F0, s12;
	[sflag:s8] =	ssyncadd.s32 $0xFFFFFF80  }
0xd2: {  	v0 =	vld [tilespmem:s0+$0x0];
	_ =	sdelay $0x4  }
0xd3: {  	v1 =	vshrl.u32 v0, $0x1  }
0xd4: {  	v0 =	vand.u32 $0x1FFF, v0;
	v1 =	vand.u32 $0xFFFFE000, v1  }
0xd5: {  	v0 =	vor.u32 v0, v1  }
0xd6: {  	v0 =	vshll.u32 v0, $0x4  }
0xd7: {  	(v2sf) =	vpush v0, $0x0;
	_ =	sdelay $0x1  }
0xd8: {  	(v2sf) =	vpush v0, $0x1;
	_ =	sdelay $0x1  }
0xd9: {  	(v2sf) =	vpush v0, $0x2;
	_ =	sdelay $0x2  }
0xda: {  	(v2sf) =	vpush v0, $0x3;
	_ =	sdelay $0x7  }
0xdb: {  	s20 =	spop (v2sf);
	(v2sf) =	vpush v0, $0x4;
	_ =	sdelay $0x1  }
0xdc: {  	s21 =	spop (v2sf);
	(v2sf) =	vpush v0, $0x5;
	_ =	sdelay $0x1  }
0xdd: {  	s23 =	spop (v2sf);
	(v2sf) =	vpush v0, $0x6;
	_ =	sdelay $0x1  }
0xde: {  	s11 =	sshra.s32 s11, $0x2;
	s0 =	sand.u32 $0x1FFFFFF0, s20  }
0xdf: {  	s2 =	sadd.s32 $0x200, s11;
	s0 =	sadd.s32 s3, s0;
	s25 =	spop (v2sf);
	(v2sf) =	vpush v0, $0x7  }
0xe0: {  	[tilespmem:s2], [sflag:$0x1] =	stream.linear.gather [hbm4b:s0+s1], $0x80, $0x38;
	[tilespmem:$0x10200] =	vst v63  }
0xe1: {  	s0 =	sand.u32 $0x1FFFFFF0, s21  }
0xe2: {  	s22 =	sadd.s32 $0x280, s11;
	s0 =	sadd.s32 s3, s0  }
0xe3: {  	[tilespmem:s22], [sflag:$0x1] =	stream.linear.gather [hbm4b:s0+s1], $0x80, $0x38;
	[tilespmem:$0x10200] =	vst v63  }
0xe4: {  	s0 =	sand.u32 $0x1FFFFFF0, s23  }
0xe5: {  	s24 =	sadd.s32 $0x300, s11;
	s0 =	sadd.s32 s3, s0  }
0xe6: {  	[tilespmem:s24], [sflag:$0x1] =	stream.linear.gather [hbm4b:s0+s1], $0x80, $0x38;
	[tilespmem:$0x10200] =	vst v63  }
0xe7: {  	s28 =	spop (v2sf);
	(v2sf) =	vpush v0, $0x8  }
0xe8: {  	s0 =	sand.u32 $0x1FFFFFF0, s25  }
0xe9: {  	s26 =	sadd.s32 $0x380, s11;
	s0 =	sadd.s32 s3, s0;
	s30 =	spop (v2sf);
	(v2sf) =	vpush v0, $0x9  }
0xea: {  	[tilespmem:s26], [sflag:$0x1] =	stream.linear.gather [hbm4b:s0+s1], $0x80, $0x38;
	[tilespmem:$0x10200] =	vst v63  }
0xeb: {  	s0 =	sand.u32 $0x1FFFFFF0, s28;
	s2 =	spop (v2sf);
	(v2sf) =	vpush v0, $0xA  }
0xec: {  	s29 =	sadd.s32 $0x400, s11;
	s0 =	sadd.s32 s3, s0  }
0xed: {  	[tilespmem:s29], [sflag:$0x1] =	stream.linear.gather [hbm4b:s0+s1], $0x80, $0x38;
	[tilespmem:$0x10200] =	vst v63  }
0xee: {  	s13 =	spop (v2sf);
	(v2sf) =	vpush v0, $0xB  }
0xef: {  	s0 =	sand.u32 $0x1FFFFFF0, s30  }
0xf0: {  	s31 =	sadd.s32 $0x480, s11;
	s0 =	sadd.s32 s3, s0  }
0xf1: {  	[tilespmem:s31], [sflag:$0x1] =	stream.linear.gather [hbm4b:s0+s1], $0x80, $0x38;
	[tilespmem:$0x10200] =	vst v63  }
0xf2: {  	s0 =	sand.u32 $0x1FFFFFF0, s2  }
0xf3: {  	s12 =	sadd.s32 $0x500, s11;
	s0 =	sadd.s32 s3, s0  }
0xf4: {  	[tilespmem:s12], [sflag:$0x1] =	stream.linear.gather [hbm4b:s0+s1], $0x80, $0x38;
	[tilespmem:$0x10200] =	vst v63  }
0xf5: {  	s0 =	sand.u32 $0x1FFFFFF0, s13  }
0xf6: {  	s14 =	sadd.s32 $0x580, s11;
	s0 =	sadd.s32 s3, s0;
	s15 =	spop (v2sf);
	(v2sf) =	vpush v0, $0xC  }
0xf7: {  	[tilespmem:s14], [sflag:$0x1] =	stream.linear.gather [hbm4b:s0+s1], $0x80, $0x38;
	[tilespmem:$0x10200] =	vst v63  }
0xf8: {  	s17 =	spop (v2sf);
	(v2sf) =	vpush v0, $0xD  }
0xf9: {  	s0 =	sand.u32 $0x1FFFFFF0, s15  }
0xfa: {  	s16 =	sadd.s32 $0x600, s11;
	s0 =	sadd.s32 s3, s0;
	s19 =	spop (v2sf)  }
0xfb: {  	(v2sf) =	vpush v0, $0xE;
	[tilespmem:s16], [sflag:$0x1] =	stream.linear.gather [hbm4b:s0+s1], $0x80, $0x38;
	[tilespmem:$0x10200] =	vst v63  }
0xfc: {  	s0 =	sand.u32 $0x1FFFFFF0, s17  }
0xfd: {  	s18 =	sadd.s32 $0x680, s11;
	s21 =	spop (v2sf);
	s0 =	sadd.s32 s3, s0  }
0xfe: {  	(v2sf) =	vpush v0, $0xF;
	[tilespmem:s18], [sflag:$0x1] =	stream.linear.gather [hbm4b:s0+s1], $0x80, $0x38;
	[tilespmem:$0x10200] =	vst v63  }
0xff: {  	s0 =	sand.u32 $0x1FFFFFF0, s19  }
0x100: {  	s20 =	sadd.s32 $0x700, s11;
	s0 =	sadd.s32 s3, s0  }
0x101: {  	[tilespmem:s20], [sflag:$0x1] =	stream.linear.gather [hbm4b:s0+s1], $0x80, $0x38;
	[tilespmem:$0x10200] =	vst v63  }
0x102: {  	s0 =	sand.u32 $0x1FFFFFF0, s21  }
0x103: {  	s22 =	sadd.s32 $0x780, s11;
	s0 =	sadd.s32 s3, s0  }
0x104: {  	[tilespmem:s22], [sflag:$0x1] =	stream.linear.gather [hbm4b:s0+s1], $0x80, $0x38;
	[tilespmem:$0x10200] =	vst v63  }
0x105: {  	s23 =	spop (v2sf)  }
0x106: {  	s0 =	sand.u32 $0x1FFFFFF0, s23  }
0x107: {  	s24 =	sadd.s32 $0x800, s11;
	s25 =	spop (v2sf);
	s0 =	sadd.s32 s3, s0  }
0x108: {  	[tilespmem:s24], [sflag:$0x1] =	stream.linear.gather [hbm4b:s0+s1], $0x80, $0x38;
	[tilespmem:$0x10200] =	vst v63  }
0x109: {  	s0 =	sand.u32 $0x1FFFFFF0, s25  }
0x10a: {  	s26 =	sadd.s32 $0x880, s11;
	s28 =	spop (v2sf);
	s0 =	sadd.s32 s3, s0  }
0x10b: {  	[tilespmem:s26], [sflag:$0x1] =	stream.linear.gather [hbm4b:s0+s1], $0x80, $0x38;
	[tilespmem:$0x10200] =	vst v63  }
0x10c: {  	s0 =	sand.u32 $0x1FFFFFF0, s28  }
0x10d: {  	s29 =	sadd.s32 $0x900, s11;
	s30 =	spop (v2sf);
	s0 =	sadd.s32 s3, s0  }
0x10e: {  	[tilespmem:s29], [sflag:$0x1] =	stream.linear.gather [hbm4b:s0+s1], $0x80, $0x38;
	[tilespmem:$0x10200] =	vst v63  }
0x10f: {  	s0 =	sand.u32 $0x1FFFFFF0, s30  }
0x110: {  	s31 =	sadd.s32 $0x980, s11;
	s0 =	sadd.s32 s3, s0  }
0x111: {  	[tilespmem:s31], [sflag:$0x1] =	stream.linear.gather [hbm4b:s0+s1], $0x80, $0x38;
	[tilespmem:$0x10200] =	vst v63  }
0x112: {  	_ =	swait.ge [sflag:s8], $0x80  }
0x113: {  	[sflag:s8] =	ssyncset.done $0x0  }
0x114: {  	[sflag:s8] =	ssyncadd.s32 $0xFFFFFF80  }
0x115: {  	_ =	swait.ge [sflag:s8], $0x80  }
0x116: {  	[sflag:s8] =	ssyncset.done $0x0  }
0x117: {  	[sflag:s8] =	ssyncadd.s32 $0xFFFFFF80  }
0x118: {  	_ =	swait.ge [sflag:s8], $0x80  }
0x119: {  	[sflag:s8] =	ssyncset.done $0x0  }
0x11a: {  	[sflag:s8] =	ssyncadd.s32 $0xFFFFFF80  }
0x11b: {  	_ =	swait.ge [sflag:s8], $0x80  }
0x11c: {  	[sflag:s8] =	ssyncset.done $0x0  }
0x11d: {  	[sflag:s8] =	ssyncadd.s32 $0xFFFFFF80  }
0x11e: {  	_ =	swait.ge [sflag:s8], $0x80  }
0x11f: {  	[sflag:s8] =	ssyncset.done $0x0  }
0x120: {  	[sflag:s8] =	ssyncadd.s32 $0xFFFFFF80  }
0x121: {  	_ =	swait.ge [sflag:s8], $0x80  }
0x122: {  	[sflag:s8] =	ssyncset.done $0x0  }
0x123: {  	[sflag:s8] =	ssyncadd.s32 $0xFFFFFF80  }
0x124: {  	_ =	swait.ge [sflag:s8], $0x80  }
0x125: {  	[sflag:s8] =	ssyncset.done $0x0  }
0x126: {  	[sflag:s8] =	ssyncadd.s32 $0xFFFFFF80  }
0x127: {  	_ =	swait.ge [sflag:s8], $0x80  }
0x128: {  	[sflag:s8] =	ssyncset.done $0x0  }
0x129: {  	[sflag:s8] =	ssyncadd.s32 $0xFFFFFF80  }
0x12a: {  	_ =	swait.ge [sflag:s8], $0x80  }
0x12b: {  	[sflag:s8] =	ssyncset.done $0x0  }
0x12c: {  	[sflag:s8] =	ssyncadd.s32 $0xFFFFFF80  }
0x12d: {  	_ =	swait.ge [sflag:s8], $0x80  }
0x12e: {  	[sflag:s8] =	ssyncset.done $0x0  }
0x12f: {  	[sflag:s8] =	ssyncadd.s32 $0xFFFFFF80  }
0x130: {  	_ =	swait.ge [sflag:s8], $0x80  }
0x131: {  	[sflag:s8] =	ssyncset.done $0x0  }
0x132: {  	[sflag:s8] =	ssyncadd.s32 $0xFFFFFF80  }
0x133: {  	_ =	swait.ge [sflag:s8], $0x80  }
0x134: {  	[sflag:s8] =	ssyncset.done $0x0  }
0x135: {  	[sflag:s8] =	ssyncadd.s32 $0xFFFFFF80  }
0x136: {  	_ =	swait.ge [sflag:s8], $0x80  }
0x137: {  	[sflag:s8] =	ssyncset.done $0x0  }
0x138: {  	[sflag:s8] =	ssyncadd.s32 $0xFFFFFF80  }
0x139: {  	_ =	swait.ge [sflag:s8], $0x80  }
0x13a: {  	[sflag:s8] =	ssyncset.done $0x0  }
0x13b: {  	[sflag:s8] =	ssyncadd.s32 $0xFFFFFF80  }
0x13c: {  	_ =	swait.ge [sflag:s8], $0x80  }
0x13d: {  	[sflag:s8] =	ssyncset.done $0x0  }
0x13e: {  	[sflag:s8] =	ssyncadd.s32 $0xFFFFFF80  }
0x13f: {  	s10 =	sadd.s32 $0x1, s10;
	_ =	swait.ge [sflag:s8], $0x80  }
0x140: {  	p0 =	sne.s32 s10, s6;
	[sflag:s8] =	ssyncset.done $0x0  }
.Ltmp1:
0x141: {  	[sflag:s8] =	ssyncadd.s32 $0xFFFFFF80;
	(pc) =	sbr.rel @p0 .LBB2_1-.Ltmp1, $4  }
0x142: {  	[hbm4b:s5+s1] =	stream.linear.scatter [tilespmem:s9], [sflag:$0x2], $0x10000, $0x38;
	[tilespmem:$0x10200] =	vst v63  }
0x143: {  	_ =	swait.ge [sflag:s7], $0x10000  }
0x144: {  	[sflag:s7] =	ssyncset.done $0x0  }
0x145: {  	[sflag:s7] =	ssyncadd.s32 $0xFFFF0000  }
0x146: {  	_ =	sfence.sel $0x180000  }
0x147: {  	[bflag:$0x0] =	sbarrier.arrive $0xFFFF  }
0x148: {  	_ =	strace $0x90000047  }
0x149: {  	s0 =	stileid.u32;
	[bflag:$0x2] =	sbarrier.arrive $0xFFFF  }
0x14a: {  	p0 =	sne.s32 s0, $0x0;
	s0 =	rddreg [dreg:$0x1]  }
0x14b: {  	s0 =	sadd.s32 @!p0 $0x100000, s0  }
0x14c: {  	[sflag:s0] =	ssyncadd.tile.s32 @!p0 $0x1;
	_ =	shalt  }
.Lfunc_end2:
_tile_overlayer_lowered:
.L_overlay_start_2:
0x14d: {  	(tag) =	ssettag $0x2  }
0x14e: {  	s0 =	rddreg [dreg:$0x0];
	s2 =	stileid.u32  }
0x14f: {  	s1 =	rddreg [dreg:$0x1];
	p0 =	sne.s32 s2, $0x0  }
0x150: {  	s3 =	rddreg [dreg:$0x2];
	[bflag:$0x3] =	sbarrier.arrive $0xFFFF;
	s2 =	simm.s32 @!p0 $0x1C02  }
0x151: {  	[timem:s3], [sflag:s2] =	dma.local @!p0 [hbm:s0], s1  }
0x152: {  	s0 =	simm.s32 @!p0 $0x2  }
0x153: {  	_ =	swait.ge @!p0 [sflag:s0], s1  }
0x154: {  	s1 =	ssub.s32 @!p0 $0x0, s1;
	[sflag:s0] =	ssyncset.done @!p0 $0x0  }
0x155: {  	[sflag:s0] =	ssyncadd.s32 @!p0 s1  }
0x156: {  	[bflag:$0x3] =	sbarrier.arrive $0xFFFF  }
0x157: {  	_ =	shalt  }

</sc_bundles>
